<compile_context>
chip_gen: v7x
topology: tpu7x:2x2x1
jax: 0.10.2.dev20260603
libtpu: 0.0.44.dev20260713+nightly
codegen_flags: <defaults>
</compile_context>

<pallas_src>
import functools

import jax
import jax.numpy as jnp
from jax import lax
from jax.experimental import pallas as pl
from jax.experimental.pallas import tpu as pltpu
from jax.experimental.pallas import tpu_sc as plsc

N_OBJ = 2048
NUM_CLS = 151
HIDDEN = 256
P = 131072
NN = N_OBJ * N_OBJ

NT = 16
PPT = P // NT
PROWS = PPT * 2 // 128
WROWS = 512
NPASS = N_OBJ // 2 // WROWS
WIN = WROWS * N_OBJ
TRASH = WIN
TSLICE = WIN // NT
ZB = 8192


def _tc_vals_body(lg_ref, ws_ref, bs_ref, wo_ref, bo_ref, wcs_ref, wco_ref,
                  bc_ref, sval_ref, oval_ref):
    x = lg_ref[...]
    m = jnp.max(x, axis=1, keepdims=True)
    e = jnp.exp(x - m)
    p = e / jnp.sum(e, axis=1, keepdims=True)
    hs = jnp.maximum(
        jnp.dot(p, ws_ref[...], preferred_element_type=jnp.float32) + bs_ref[...], 0.0)
    ho = jnp.maximum(
        jnp.dot(p, wo_ref[...], preferred_element_type=jnp.float32) + bo_ref[...], 0.0)
    sval_ref[...] = jnp.sum(hs * wcs_ref[...], axis=1) + bc_ref[0, 0]
    oval_ref[...] = jnp.sum(ho * wco_ref[...], axis=1)


_tc_vals = pl.pallas_call(
    _tc_vals_body,
    out_shape=(jax.ShapeDtypeStruct((N_OBJ,), jnp.float32),
               jax.ShapeDtypeStruct((N_OBJ,), jnp.float32)),
)


def _sc_body(pairs_hbm, sval_hbm, oval_hbm, logits_hbm, mat_hbm,
             pair_v, stab_v, otab_v, logit_v, score_v, fidx_v, pidx_v, zero_v,
             shared, stsem, ssem, lsem, zsem, osem):
    c = lax.axis_index("c")
    s = lax.axis_index("s")

    d1 = pltpu.async_copy(
        pairs_hbm.at[pl.ds(s * PROWS, PROWS), :], pair_v, stsem)
    d2 = pltpu.async_copy(sval_hbm, stab_v, stsem)
    d3 = pltpu.async_copy(oval_hbm, otab_v, stsem)

    def zfill(k, carry):
        zero_v[pl.ds(k * 16, 16)] = jnp.zeros((16,), jnp.float32)
        return carry
    lax.fori_loop(0, ZB // 16, zfill, 0)

    zcs = [
        pltpu.async_copy(
            zero_v, shared.at[pl.ds(s * TSLICE + z * ZB, ZB)], zsem)
        for z in range(TSLICE // ZB)
    ]

    d1.wait()
    d2.wait()
    d3.wait()

    def body(m, carry):
        lane = lax.iota(jnp.int32, 16)
        flat = m * 32 + 2 * lane
        ii = plsc.load_gather(pair_v, [flat // 128, flat % 128])
        jj = plsc.load_gather(pair_v, [(flat + 1) // 128, (flat + 1) % 128])
        sv = plsc.load_gather(stab_v, [ii])
        ov = plsc.load_gather(otab_v, [jj])
        lg = sv + ov
        logit_v[pl.ds(m * 16, 16)] = lg
        sc = 1.0 / (1.0 + jnp.exp(-lg))
        score_v[pl.ds(m * 16, 16)] = sc
        fidx_v[pl.ds(m * 16, 16)] = ii * N_OBJ + jj
        return carry
    lax.fori_loop(0, PPT // 16, body, 0)

    @pl.when(c == 0)
    def _():
        pltpu.async_copy(logit_v, logits_hbm.at[pl.ds(s * PPT, PPT)], lsem)

    for q in range(NPASS):
        pass_base = (c * (N_OBJ // 2) + q * WROWS) * N_OBJ

        def pbody(m, carry):
            lane = lax.iota(jnp.int32, 16)
            fi = fidx_v[pl.ds(m * 16, 16)] - pass_base
            inw = (fi >= 0) & (fi < WIN)
            pidx_v[pl.ds(m * 16, 16)] = jnp.where(inw, fi, TRASH + lane)
            return carry
        lax.fori_loop(0, PPT // 16, pbody, 0)

        for d in zcs:
            d.wait()
        plsc.subcore_barrier()
        pltpu.async_copy(score_v, shared.at[pidx_v], ssem).wait()
        plsc.subcore_barrier()

        row0 = c * (N_OBJ // 2) + q * WROWS + s * (WROWS // NT)
        def orow(r, carry):
            pltpu.async_copy(
                shared.at[pl.ds(s * TSLICE + r * N_OBJ, N_OBJ)],
                mat_hbm.at[row0 + r, :], osem)
            return carry
        def odrain(r, carry):
            pltpu.make_async_copy(
                shared.at[pl.ds(s * TSLICE, N_OBJ)],
                mat_hbm.at[row0, :], osem).wait()
            return carry
        for half in range(2):
            lax.fori_loop(half * 16, (half + 1) * 16, orow, 0)
            lax.fori_loop(0, 16, odrain, 0)

        if q + 1 < NPASS:
            plsc.subcore_barrier()
            zcs = [
                pltpu.async_copy(
                    zero_v, shared.at[pl.ds(s * TSLICE + z * ZB, ZB)], zsem)
                for z in range(TSLICE // ZB)
            ]

    @pl.when(c == 0)
    def _():
        pltpu.make_async_copy(
            logit_v, logits_hbm.at[pl.ds(s * PPT, PPT)], lsem).wait()


_sc_scatter = functools.partial(
    pl.kernel,
    out_type=(jax.ShapeDtypeStruct((P,), jnp.float32),
              jax.ShapeDtypeStruct((N_OBJ, N_OBJ), jnp.float32)),
    mesh=plsc.VectorSubcoreMesh(core_axis_name="c", subcore_axis_name="s"),
    compiler_params=pltpu.CompilerParams(
        needs_layout_passes=False,
        disable_bounds_checks=True,
        disable_semaphore_checks=True,
    ),
    scratch_types=(
        pltpu.VMEM((PROWS, 128), jnp.int32),
        pltpu.VMEM((N_OBJ,), jnp.float32),
        pltpu.VMEM((N_OBJ,), jnp.float32),
        pltpu.VMEM((PPT,), jnp.float32),
        pltpu.VMEM((PPT,), jnp.float32),
        pltpu.VMEM((PPT,), jnp.int32),
        pltpu.VMEM((PPT,), jnp.int32),
        pltpu.VMEM((ZB,), jnp.float32),
        pltpu.VMEM_SHARED((WIN + 16,), jnp.float32),
        pltpu.SemaphoreType.DMA,
        pltpu.SemaphoreType.DMA,
        pltpu.SemaphoreType.DMA,
        pltpu.SemaphoreType.DMA,
        pltpu.SemaphoreType.DMA,
    ),
)(_sc_body)


def kernel(visual_feat, pred_logits, pair_idx, W_sub, b_sub, W_obj, b_obj,
           W_cls, b_cls):
    del visual_feat
    ws_cls = W_cls[:HIDDEN].reshape(1, HIDDEN)
    wo_cls = W_cls[HIDDEN:].reshape(1, HIDDEN)
    sval, oval = _tc_vals(pred_logits, W_sub, b_sub.reshape(1, HIDDEN),
                          W_obj, b_obj.reshape(1, HIDDEN),
                          ws_cls, wo_cls, b_cls.reshape(1, 1))
    logits, mat = _sc_scatter(pair_idx.reshape(P * 2 // 128, 128), sval, oval)
    return logits, mat

# --- scband reference (transcript-rebuilt; emitter-appended) ---
"""Pipeline reference for scband-grcnnrel-prop-77704548319692 (READ-ONLY COPY).

The authoritative reference and input builder live on the scoring server;
editing this copy changes nothing except your own understanding.
"""

import jax, jax.numpy as jnp
import numpy as np

N_OBJ = 2048
P = 131072
NUM_OBJ_CLASSES = 151
HIDDEN = 256
INPUT_DIM = 512

def setup_inputs(seed: int = 0) -> dict:
    key = jax.random.key(seed)
    ks = jax.random.split(key, 9)
    visual_feat = jax.random.normal(ks[0], (P, INPUT_DIM), dtype=jnp.float32)
    pred_logits = jax.random.normal(ks[1], (N_OBJ, NUM_OBJ_CLASSES), dtype=jnp.float32)
    pair_idx = jax.random.randint(ks[2], (P, 2), 0, N_OBJ, dtype=jnp.int32)
    W_sub = jax.random.normal(ks[3], (NUM_OBJ_CLASSES, HIDDEN), dtype=jnp.float32) / np.sqrt(NUM_OBJ_CLASSES)
    b_sub = jnp.zeros((HIDDEN,), dtype=jnp.float32)
    W_obj = jax.random.normal(ks[4], (NUM_OBJ_CLASSES, HIDDEN), dtype=jnp.float32) / np.sqrt(NUM_OBJ_CLASSES)
    b_obj = jnp.zeros((HIDDEN,), dtype=jnp.float32)
    W_cls = jax.random.normal(ks[5], (2 * HIDDEN, 1), dtype=jnp.float32) / np.sqrt(2 * HIDDEN)
    b_cls = jnp.zeros((1,), dtype=jnp.float32)
    return {"visual_feat": visual_feat, "pred_logits": pred_logits, "pair_idx": pair_idx,
            "W_sub": W_sub, "b_sub": b_sub, "W_obj": W_obj, "b_obj": b_obj,
            "W_cls": W_cls, "b_cls": b_cls}

def reference(visual_feat, pred_logits, pair_idx, W_sub, b_sub, W_obj, b_obj, W_cls, b_cls):
    # pred_logits is detached in the original torch module
    obj_prob = jax.nn.softmax(pred_logits, axis=1)
    sub_feat = jnp.take(obj_prob, pair_idx[:, 0], axis=0) @ W_sub + b_sub
    obj_feat = jnp.take(obj_prob, pair_idx[:, 1], axis=0) @ W_obj + b_obj
    obj_pair_prob = jnp.concatenate([sub_feat, obj_feat], axis=1)
    relness_logits = (jax.nn.relu(obj_pair_prob) @ W_cls + b_cls)[:, 0]
    relness_scores = jax.nn.sigmoid(relness_logits)
    pred_rel_matrix = jnp.zeros((N_OBJ, N_OBJ), dtype=relness_scores.dtype)
    pred_rel_matrix = pred_rel_matrix.at[pair_idx[:, 0], pair_idx[:, 1]].set(relness_scores)
    return (relness_logits, pred_rel_matrix)

if __name__ == "__main__":
    import jax
    _d = setup_inputs()
    print(jax.jit(kernel)(*tuple(_d.values())))

</pallas_src>

<mosaic_0001>
#map = affine_map<(d0, d1) -> (0, 0)>
#map1 = affine_map<(d0, d1) -> (0)>
module attributes {stable_mosaic.version = 14 : i64} {
  func.func @_sc_body(%arg0: i32, %arg1: i32, %arg2: memref<2048x128xi32, #tpu.memory_space<hbm>>, %arg3: memref<2048xf32, #tpu.memory_space<hbm>>, %arg4: memref<2048xf32, #tpu.memory_space<hbm>>, %arg5: memref<131072xf32, #tpu.memory_space<hbm>>, %arg6: memref<2048x2048xf32, #tpu.memory_space<hbm>>, %arg7: memref<128x128xi32, #tpu.memory_space<vmem>>, %arg8: memref<2048xf32, #tpu.memory_space<vmem>>, %arg9: memref<2048xf32, #tpu.memory_space<vmem>>, %arg10: memref<8192xf32, #tpu.memory_space<vmem>>, %arg11: memref<8192xf32, #tpu.memory_space<vmem>>, %arg12: memref<8192xi32, #tpu.memory_space<vmem>>, %arg13: memref<8192xi32, #tpu.memory_space<vmem>>, %arg14: memref<8192xf32, #tpu.memory_space<vmem>>, %arg15: memref<1048592xf32, #tpu.memory_space<vmem_shared>>, %arg16: memref<!tpu.dma_semaphore, #tpu.memory_space<semaphore_mem>>, %arg17: memref<!tpu.dma_semaphore, #tpu.memory_space<semaphore_mem>>, %arg18: memref<!tpu.dma_semaphore, #tpu.memory_space<semaphore_mem>>, %arg19: memref<!tpu.dma_semaphore, #tpu.memory_space<semaphore_mem>>, %arg20: memref<!tpu.dma_semaphore, #tpu.memory_space<semaphore_mem>>) attributes {dimension_semantics = [#tpu.dimension_semantics<core_parallel>, #tpu.dimension_semantics<subcore_parallel>], iteration_bounds = array<i64: 2, 16>, scalar_prefetch = 0 : i64, scratch_operands = 14 : i64, tpu.core_type = #tpu.core_type<sc_vector_subcore>, window_params = [{transform_indices = #map}, {transform_indices = #map1}, {transform_indices = #map1}, {transform_indices = #map1}, {transform_indices = #map}]} {
    %mul3A = arith.constant 128 : i32
    %mul3A_0 = arith.muli %arg1, %mul3A : i32
    %dma_start3A = arith.constant 0 : i32
    %dma_start3A_1 = tpu.memref_slice %arg2[%mul3A_0, %dma_start3A] : memref<2048x128xi32, #tpu.memory_space<hbm>> -> memref<128x128xi32, #tpu.memory_space<hbm>>
    %dma_start3A_2 = arith.constant 0 : i32
    %dma_start3A_3 = tpu.memref_slice %arg2[%mul3A_0, %dma_start3A_2] : memref<2048x128xi32, #tpu.memory_space<hbm>> -> memref<128x128xi32, #tpu.memory_space<hbm>>
    tpu.enqueue_dma source(%dma_start3A_3 : memref<128x128xi32, #tpu.memory_space<hbm>>) target(%arg7 : memref<128x128xi32, #tpu.memory_space<vmem>>) target_semaphore(%arg16 : memref<!tpu.dma_semaphore, #tpu.memory_space<semaphore_mem>>)
    tpu.enqueue_dma source(%arg3 : memref<2048xf32, #tpu.memory_space<hbm>>) target(%arg8 : memref<2048xf32, #tpu.memory_space<vmem>>) target_semaphore(%arg16 : memref<!tpu.dma_semaphore, #tpu.memory_space<semaphore_mem>>)
    tpu.enqueue_dma source(%arg4 : memref<2048xf32, #tpu.memory_space<hbm>>) target(%arg9 : memref<2048xf32, #tpu.memory_space<vmem>>) target_semaphore(%arg16 : memref<!tpu.dma_semaphore, #tpu.memory_space<semaphore_mem>>)
    %scan3A = arith.constant 0 : i32
    %scan3A_4 = arith.constant 0 : i32
    %scan3A_5 = arith.constant 512 : i32
    %scan3A_6 = arith.addi %scan3A_4, %scan3A_5 : i32
    %scan3A_7 = arith.constant 1 : i32
    scf.for %scan3A_250 = %scan3A_4 to %scan3A_6 step %scan3A_7  : i32 {
      %broadcast_in_dim3A = arith.constant 0.000000e+00 : f32
      %broadcast_in_dim3A_251 = vector.broadcast %broadcast_in_dim3A : f32 to vector<16xf32>
      %mul3A_252 = arith.constant 16 : i32
      %mul3A_253 = arith.muli %scan3A_250, %mul3A_252 : i32
      %swap3A = arith.index_cast %mul3A_253 : i32 to index
      %swap3A_254 = tpu.vector_load %arg14[%swap3A] {strides = array<i32>} : memref<8192xf32, #tpu.memory_space<vmem>>, vector<16xf32>,
      tpu.vector_store %arg14[%swap3A], %broadcast_in_dim3A_251 {strides = array<i32>} : memref<8192xf32, #tpu.memory_space<vmem>>, vector<16xf32>,
    }
    %scan3A_8 = arith.constant 512 : i32
    %mul3A_9 = arith.constant 65536 : i32
    %mul3A_10 = arith.muli %arg1, %mul3A_9 : i32
    %add3A = arith.constant 0 : i32
    %add3A_11 = arith.addi %mul3A_10, %add3A : i32
    %dma_start3A_12 = tpu.memref_slice %arg15[%add3A_11] : memref<1048592xf32, #tpu.memory_space<vmem_shared>> -> memref<8192xf32, #tpu.memory_space<vmem_shared>>
    %dma_start3A_13 = tpu.memref_slice %arg15[%add3A_11] : memref<1048592xf32, #tpu.memory_space<vmem_shared>> -> memref<8192xf32, #tpu.memory_space<vmem_shared>>
    tpu.enqueue_dma source(%arg14 : memref<8192xf32, #tpu.memory_space<vmem>>) target(%dma_start3A_13 : memref<8192xf32, #tpu.memory_space<vmem_shared>>) target_semaphore(%arg19 : memref<!tpu.dma_semaphore, #tpu.memory_space<semaphore_mem>>)
    %mul3A_14 = arith.constant 65536 : i32
    %mul3A_15 = arith.muli %arg1, %mul3A_14 : i32
    %add3A_16 = arith.constant 8192 : i32
    %add3A_17 = arith.addi %mul3A_15, %add3A_16 : i32
    %dma_start3A_18 = tpu.memref_slice %arg15[%add3A_17] : memref<1048592xf32, #tpu.memory_space<vmem_shared>> -> memref<8192xf32, #tpu.memory_space<vmem_shared>>
    %dma_start3A_19 = tpu.memref_slice %arg15[%add3A_17] : memref<1048592xf32, #tpu.memory_space<vmem_shared>> -> memref<8192xf32, #tpu.memory_space<vmem_shared>>
    tpu.enqueue_dma source(%arg14 : memref<8192xf32, #tpu.memory_space<vmem>>) target(%dma_start3A_19 : memref<8192xf32, #tpu.memory_space<vmem_shared>>) target_semaphore(%arg19 : memref<!tpu.dma_semaphore, #tpu.memory_space<semaphore_mem>>)
    %mul3A_20 = arith.constant 65536 : i32
    %mul3A_21 = arith.muli %arg1, %mul3A_20 : i32
    %add3A_22 = arith.constant 16384 : i32
    %add3A_23 = arith.addi %mul3A_21, %add3A_22 : i32
    %dma_start3A_24 = tpu.memref_slice %arg15[%add3A_23] : memref<1048592xf32, #tpu.memory_space<vmem_shared>> -> memref<8192xf32, #tpu.memory_space<vmem_shared>>
    %dma_start3A_25 = tpu.memref_slice %arg15[%add3A_23] : memref<1048592xf32, #tpu.memory_space<vmem_shared>> -> memref<8192xf32, #tpu.memory_space<vmem_shared>>
    tpu.enqueue_dma source(%arg14 : memref<8192xf32, #tpu.memory_space<vmem>>) target(%dma_start3A_25 : memref<8192xf32, #tpu.memory_space<vmem_shared>>) target_semaphore(%arg19 : memref<!tpu.dma_semaphore, #tpu.memory_space<semaphore_mem>>)
    %mul3A_26 = arith.constant 65536 : i32
    %mul3A_27 = arith.muli %arg1, %mul3A_26 : i32
    %add3A_28 = arith.constant 24576 : i32
    %add3A_29 = arith.addi %mul3A_27, %add3A_28 : i32
    %dma_start3A_30 = tpu.memref_slice %arg15[%add3A_29] : memref<1048592xf32, #tpu.memory_space<vmem_shared>> -> memref<8192xf32, #tpu.memory_space<vmem_shared>>
    %dma_start3A_31 = tpu.memref_slice %arg15[%add3A_29] : memref<1048592xf32, #tpu.memory_space<vmem_shared>> -> memref<8192xf32, #tpu.memory_space<vmem_shared>>
    tpu.enqueue_dma source(%arg14 : memref<8192xf32, #tpu.memory_space<vmem>>) target(%dma_start3A_31 : memref<8192xf32, #tpu.memory_space<vmem_shared>>) target_semaphore(%arg19 : memref<!tpu.dma_semaphore, #tpu.memory_space<semaphore_mem>>)
    %mul3A_32 = arith.constant 65536 : i32
    %mul3A_33 = arith.muli %arg1, %mul3A_32 : i32
    %add3A_34 = arith.constant 32768 : i32
    %add3A_35 = arith.addi %mul3A_33, %add3A_34 : i32
    %dma_start3A_36 = tpu.memref_slice %arg15[%add3A_35] : memref<1048592xf32, #tpu.memory_space<vmem_shared>> -> memref<8192xf32, #tpu.memory_space<vmem_shared>>
    %dma_start3A_37 = tpu.memref_slice %arg15[%add3A_35] : memref<1048592xf32, #tpu.memory_space<vmem_shared>> -> memref<8192xf32, #tpu.memory_space<vmem_shared>>
    tpu.enqueue_dma source(%arg14 : memref<8192xf32, #tpu.memory_space<vmem>>) target(%dma_start3A_37 : memref<8192xf32, #tpu.memory_space<vmem_shared>>) target_semaphore(%arg19 : memref<!tpu.dma_semaphore, #tpu.memory_space<semaphore_mem>>)
    %mul3A_38 = arith.constant 65536 : i32
    %mul3A_39 = arith.muli %arg1, %mul3A_38 : i32
    %add3A_40 = arith.constant 40960 : i32
    %add3A_41 = arith.addi %mul3A_39, %add3A_40 : i32
    %dma_start3A_42 = tpu.memref_slice %arg15[%add3A_41] : memref<1048592xf32, #tpu.memory_space<vmem_shared>> -> memref<8192xf32, #tpu.memory_space<vmem_shared>>
    %dma_start3A_43 = tpu.memref_slice %arg15[%add3A_41] : memref<1048592xf32, #tpu.memory_space<vmem_shared>> -> memref<8192xf32, #tpu.memory_space<vmem_shared>>
    tpu.enqueue_dma source(%arg14 : memref<8192xf32, #tpu.memory_space<vmem>>) target(%dma_start3A_43 : memref<8192xf32, #tpu.memory_space<vmem_shared>>) target_semaphore(%arg19 : memref<!tpu.dma_semaphore, #tpu.memory_space<semaphore_mem>>)
    %mul3A_44 = arith.constant 65536 : i32
    %mul3A_45 = arith.muli %arg1, %mul3A_44 : i32
    %add3A_46 = arith.constant 49152 : i32
    %add3A_47 = arith.addi %mul3A_45, %add3A_46 : i32
    %dma_start3A_48 = tpu.memref_slice %arg15[%add3A_47] : memref<1048592xf32, #tpu.memory_space<vmem_shared>> -> memref<8192xf32, #tpu.memory_space<vmem_shared>>
    %dma_start3A_49 = tpu.memref_slice %arg15[%add3A_47] : memref<1048592xf32, #tpu.memory_space<vmem_shared>> -> memref<8192xf32, #tpu.memory_space<vmem_shared>>
    tpu.enqueue_dma source(%arg14 : memref<8192xf32, #tpu.memory_space<vmem>>) target(%dma_start3A_49 : memref<8192xf32, #tpu.memory_space<vmem_shared>>) target_semaphore(%arg19 : memref<!tpu.dma_semaphore, #tpu.memory_space<semaphore_mem>>)
    %mul3A_50 = arith.constant 65536 : i32
    %mul3A_51 = arith.muli %arg1, %mul3A_50 : i32
    %add3A_52 = arith.constant 57344 : i32
    %add3A_53 = arith.addi %mul3A_51, %add3A_52 : i32
    %dma_start3A_54 = tpu.memref_slice %arg15[%add3A_53] : memref<1048592xf32, #tpu.memory_space<vmem_shared>> -> memref<8192xf32, #tpu.memory_space<vmem_shared>>
    %dma_start3A_55 = tpu.memref_slice %arg15[%add3A_53] : memref<1048592xf32, #tpu.memory_space<vmem_shared>> -> memref<8192xf32, #tpu.memory_space<vmem_shared>>
    tpu.enqueue_dma source(%arg14 : memref<8192xf32, #tpu.memory_space<vmem>>) target(%dma_start3A_55 : memref<8192xf32, #tpu.memory_space<vmem_shared>>) target_semaphore(%arg19 : memref<!tpu.dma_semaphore, #tpu.memory_space<semaphore_mem>>)
    %dma_wait3A = arith.constant 0 : i32
    %dma_wait3A_56 = tpu.memref_slice %arg2[%mul3A_0, %dma_wait3A] : memref<2048x128xi32, #tpu.memory_space<hbm>> -> memref<128x128xi32, #tpu.memory_space<hbm>>
    %dma_wait3A_57 = arith.constant 0 : i32
    %dma_wait3A_58 = tpu.memref_slice %arg2[%mul3A_0, %dma_wait3A_57] : memref<2048x128xi32, #tpu.memory_space<hbm>> -> memref<128x128xi32, #tpu.memory_space<hbm>>
    tpu.wait_dma2 semaphore(%arg16 : memref<!tpu.dma_semaphore, #tpu.memory_space<semaphore_mem>>) src(%dma_wait3A_58 : memref<128x128xi32, #tpu.memory_space<hbm>>) dst(%arg7 : memref<128x128xi32, #tpu.memory_space<vmem>>)
    tpu.wait_dma2 semaphore(%arg16 : memref<!tpu.dma_semaphore, #tpu.memory_space<semaphore_mem>>) src(%arg3 : memref<2048xf32, #tpu.memory_space<hbm>>) dst(%arg8 : memref<2048xf32, #tpu.memory_space<vmem>>)
    tpu.wait_dma2 semaphore(%arg16 : memref<!tpu.dma_semaphore, #tpu.memory_space<semaphore_mem>>) src(%arg4 : memref<2048xf32, #tpu.memory_space<hbm>>) dst(%arg9 : memref<2048xf32, #tpu.memory_space<vmem>>)
    %scan3A_59 = arith.constant 0 : i32
    %scan3A_60 = arith.constant 0 : i32
    %scan3A_61 = arith.constant 512 : i32
    %scan3A_62 = arith.addi %scan3A_60, %scan3A_61 : i32
    %scan3A_63 = arith.constant 1 : i32
    scf.for %scan3A_250 = %scan3A_60 to %scan3A_62 step %scan3A_63  : i32 {
      %iota3A = tpu.iota {dimensions = array<i32: 0>} : vector<16xi32>
      %mul3A_251 = arith.constant 32 : i32
      %mul3A_252 = arith.muli %scan3A_250, %mul3A_251 : i32
      %mul3A_253 = arith.constant 2 : i32
      %mul3A_254 = vector.broadcast %mul3A_253 : i32 to vector<16xi32>
      %mul3A_255 = arith.muli %mul3A_254, %iota3A : vector<16xi32>
      %add3A_256 = vector.broadcast %mul3A_252 : i32 to vector<16xi32>
      %add3A_257 = arith.addi %add3A_256, %mul3A_255 : vector<16xi32>
      %jit3A = arith.constant 128 : i32
      %div3A = vector.broadcast %jit3A : i32 to vector<16xi32>
      %div3A_258 = arith.divsi %add3A_257, %div3A : vector<16xi32>
      %sign3A = arith.constant 0 : i32
      %sign3A_259 = vector.broadcast %sign3A : i32 to vector<16xi32>
      %sign3A_260 = arith.cmpi sgt, %add3A_257, %sign3A_259 : vector<16xi32>
      %sign3A_261 = arith.extui %sign3A_260 : vector<16xi1> to vector<16xi32>
      %sign3A_262 = arith.constant 0 : i32
      %sign3A_263 = vector.broadcast %sign3A_262 : i32 to vector<16xi32>
      %sign3A_264 = arith.cmpi slt, %add3A_257, %sign3A_263 : vector<16xi32>
      %sign3A_265 = arith.extui %sign3A_264 : vector<16xi1> to vector<16xi32>
      %sign3A_266 = arith.subi %sign3A_261, %sign3A_265 : vector<16xi32>
      %sign3A_267 = arith.constant 0 : i32
      %sign3A_268 = arith.cmpi sgt, %jit3A, %sign3A_267 : i32
      %sign3A_269 = arith.extui %sign3A_268 : i1 to i32
      %sign3A_270 = arith.constant 0 : i32
      %sign3A_271 = arith.cmpi slt, %jit3A, %sign3A_270 : i32
      %sign3A_272 = arith.extui %sign3A_271 : i1 to i32
      %sign3A_273 = arith.subi %sign3A_269, %sign3A_272 : i32
      %ne3A = vector.broadcast %sign3A_273 : i32 to vector<16xi32>
      %ne3A_274 = arith.cmpi ne, %sign3A_266, %ne3A : vector<16xi32>
      %rem3A = vector.broadcast %jit3A : i32 to vector<16xi32>
      %rem3A_275 = arith.remsi %add3A_257, %rem3A : vector<16xi32>
      %ne3A_276 = arith.constant 0 : i32
      %ne3A_277 = vector.broadcast %ne3A_276 : i32 to vector<16xi32>
      %ne3A_278 = arith.cmpi ne, %rem3A_275, %ne3A_277 : vector<16xi32>
      %and3A = arith.andi %ne3A_274, %ne3A_278 : vector<16xi1>
      %sub3A = arith.constant 1 : i32
      %sub3A_279 = vector.broadcast %sub3A : i32 to vector<16xi32>
      %sub3A_280 = arith.subi %div3A_258, %sub3A_279 : vector<16xi32>
      %select_n3A = arith.select %and3A, %sub3A_280, %div3A_258 : vector<16xi1>, vector<16xi32>
      %jit3A_281 = arith.constant 128 : i32
      %eq3A_282 = arith.constant 0 : i32
      %eq3A_283 = arith.cmpi eq, %jit3A_281, %eq3A_282 : i32
      %jit3A_284 = arith.constant 1 : i32
      %select_n3A_285 = arith.select %eq3A_283, %jit3A_284, %jit3A_281 : i32
      %rem3A_286 = vector.broadcast %select_n3A_285 : i32 to vector<16xi32>
      %rem3A_287 = arith.remsi %add3A_257, %rem3A_286 : vector<16xi32>
      %ne3A_288 = arith.constant 0 : i32
      %ne3A_289 = vector.broadcast %ne3A_288 : i32 to vector<16xi32>
      %ne3A_290 = arith.cmpi ne, %rem3A_287, %ne3A_289 : vector<16xi32>
      %lt3A = arith.constant 0 : i32
      %lt3A_291 = vector.broadcast %lt3A : i32 to vector<16xi32>
      %lt3A_292 = arith.cmpi slt, %rem3A_287, %lt3A_291 : vector<16xi32>
      %lt3A_293 = arith.constant 0 : i32
      %lt3A_294 = arith.cmpi slt, %select_n3A_285, %lt3A_293 : i32
      %ne3A_295 = vector.broadcast %lt3A_294 : i1 to vector<16xi1>
      %ne3A_296 = vector.broadcast %ne3A_295 : vector<16xi1> to vector<16xi1>
      %ne3A_297 = arith.xori %lt3A_292, %ne3A_296 : vector<16xi1>
      %and3A_298 = arith.andi %ne3A_297, %ne3A_290 : vector<16xi1>
      %add3A_299 = vector.broadcast %select_n3A_285 : i32 to vector<16xi32>
      %add3A_300 = arith.addi %rem3A_287, %add3A_299 : vector<16xi32>
      %select_n3A_301 = arith.select %and3A_298, %add3A_300, %rem3A_287 : vector<16xi1>, vector<16xi32>
      %gather3A = tpu.vector_load_idx %arg7[%select_n3A, %select_n3A_301] : memref<128x128xi32, #tpu.memory_space<vmem>>[vector<16xi32>, vector<16xi32>], vector<16xi32>,
      %add3A_302 = arith.constant 1 : i32
      %add3A_303 = vector.broadcast %add3A_302 : i32 to vector<16xi32>
      %add3A_304 = arith.addi %add3A_257, %add3A_303 : vector<16xi32>
      %jit3A_305 = arith.constant 128 : i32
      %div3A_306 = vector.broadcast %jit3A_305 : i32 to vector<16xi32>
      %div3A_307 = arith.divsi %add3A_304, %div3A_306 : vector<16xi32>
      %sign3A_308 = arith.constant 0 : i32
      %sign3A_309 = vector.broadcast %sign3A_308 : i32 to vector<16xi32>
      %sign3A_310 = arith.cmpi sgt, %add3A_304, %sign3A_309 : vector<16xi32>
      %sign3A_311 = arith.extui %sign3A_310 : vector<16xi1> to vector<16xi32>
      %sign3A_312 = arith.constant 0 : i32
      %sign3A_313 = vector.broadcast %sign3A_312 : i32 to vector<16xi32>
      %sign3A_314 = arith.cmpi slt, %add3A_304, %sign3A_313 : vector<16xi32>
      %sign3A_315 = arith.extui %sign3A_314 : vector<16xi1> to vector<16xi32>
      %sign3A_316 = arith.subi %sign3A_311, %sign3A_315 : vector<16xi32>
      %sign3A_317 = arith.constant 0 : i32
      %sign3A_318 = arith.cmpi sgt, %jit3A_305, %sign3A_317 : i32
      %sign3A_319 = arith.extui %sign3A_318 : i1 to i32
      %sign3A_320 = arith.constant 0 : i32
      %sign3A_321 = arith.cmpi slt, %jit3A_305, %sign3A_320 : i32
      %sign3A_322 = arith.extui %sign3A_321 : i1 to i32
      %sign3A_323 = arith.subi %sign3A_319, %sign3A_322 : i32
      %ne3A_324 = vector.broadcast %sign3A_323 : i32 to vector<16xi32>
      %ne3A_325 = arith.cmpi ne, %sign3A_316, %ne3A_324 : vector<16xi32>
      %rem3A_326 = vector.broadcast %jit3A_305 : i32 to vector<16xi32>
      %rem3A_327 = arith.remsi %add3A_304, %rem3A_326 : vector<16xi32>
      %ne3A_328 = arith.constant 0 : i32
      %ne3A_329 = vector.broadcast %ne3A_328 : i32 to vector<16xi32>
      %ne3A_330 = arith.cmpi ne, %rem3A_327, %ne3A_329 : vector<16xi32>
      %and3A_331 = arith.andi %ne3A_325, %ne3A_330 : vector<16xi1>
      %sub3A_332 = arith.constant 1 : i32
      %sub3A_333 = vector.broadcast %sub3A_332 : i32 to vector<16xi32>
      %sub3A_334 = arith.subi %div3A_307, %sub3A_333 : vector<16xi32>
      %select_n3A_335 = arith.select %and3A_331, %sub3A_334, %div3A_307 : vector<16xi1>, vector<16xi32>
      %add3A_336 = arith.constant 1 : i32
      %add3A_337 = vector.broadcast %add3A_336 : i32 to vector<16xi32>
      %add3A_338 = arith.addi %add3A_257, %add3A_337 : vector<16xi32>
      %jit3A_339 = arith.constant 128 : i32
      %eq3A_340 = arith.constant 0 : i32
      %eq3A_341 = arith.cmpi eq, %jit3A_339, %eq3A_340 : i32
      %jit3A_342 = arith.constant 1 : i32
      %select_n3A_343 = arith.select %eq3A_341, %jit3A_342, %jit3A_339 : i32
      %rem3A_344 = vector.broadcast %select_n3A_343 : i32 to vector<16xi32>
      %rem3A_345 = arith.remsi %add3A_338, %rem3A_344 : vector<16xi32>
      %ne3A_346 = arith.constant 0 : i32
      %ne3A_347 = vector.broadcast %ne3A_346 : i32 to vector<16xi32>
      %ne3A_348 = arith.cmpi ne, %rem3A_345, %ne3A_347 : vector<16xi32>
      %lt3A_349 = arith.constant 0 : i32
      %lt3A_350 = vector.broadcast %lt3A_349 : i32 to vector<16xi32>
      %lt3A_351 = arith.cmpi slt, %rem3A_345, %lt3A_350 : vector<16xi32>
      %lt3A_352 = arith.constant 0 : i32
      %lt3A_353 = arith.cmpi slt, %select_n3A_343, %lt3A_352 : i32
      %ne3A_354 = vector.broadcast %lt3A_353 : i1 to vector<16xi1>
      %ne3A_355 = vector.broadcast %ne3A_354 : vector<16xi1> to vector<16xi1>
      %ne3A_356 = arith.xori %lt3A_351, %ne3A_355 : vector<16xi1>
      %and3A_357 = arith.andi %ne3A_356, %ne3A_348 : vector<16xi1>
      %add3A_358 = vector.broadcast %select_n3A_343 : i32 to vector<16xi32>
      %add3A_359 = arith.addi %rem3A_345, %add3A_358 : vector<16xi32>
      %select_n3A_360 = arith.select %and3A_357, %add3A_359, %rem3A_345 : vector<16xi1>, vector<16xi32>
      %gather3A_361 = tpu.vector_load_idx %arg7[%select_n3A_335, %select_n3A_360] : memref<128x128xi32, #tpu.memory_space<vmem>>[vector<16xi32>, vector<16xi32>], vector<16xi32>,
      %gather3A_362 = tpu.vector_load_idx %arg8[%gather3A] : memref<2048xf32, #tpu.memory_space<vmem>>[vector<16xi32>], vector<16xf32>,
      %gather3A_363 = tpu.vector_load_idx %arg9[%gather3A_361] : memref<2048xf32, #tpu.memory_space<vmem>>[vector<16xi32>], vector<16xf32>,
      %add3A_364 = arith.addf %gather3A_362, %gather3A_363 : vector<16xf32>
      %mul3A_365 = arith.constant 16 : i32
      %mul3A_366 = arith.muli %scan3A_250, %mul3A_365 : i32
      %swap3A = arith.index_cast %mul3A_366 : i32 to index
      %swap3A_367 = tpu.vector_load %arg10[%swap3A] {strides = array<i32>} : memref<8192xf32, #tpu.memory_space<vmem>>, vector<16xf32>,
      tpu.vector_store %arg10[%swap3A], %add3A_364 {strides = array<i32>} : memref<8192xf32, #tpu.memory_space<vmem>>, vector<16xf32>,
      %neg3A = arith.constant 0.000000e+00 : f32
      %neg3A_368 = vector.broadcast %neg3A : f32 to vector<16xf32>
      %neg3A_369 = arith.subf %neg3A_368, %add3A_364 : vector<16xf32>
      %exp3A = math.exp %neg3A_369 : vector<16xf32>
      %add3A_370 = arith.constant 1.000000e+00 : f32
      %add3A_371 = vector.broadcast %add3A_370 : f32 to vector<16xf32>
      %add3A_372 = arith.addf %add3A_371, %exp3A : vector<16xf32>
      %div3A_373 = arith.constant 1.000000e+00 : f32
      %div3A_374 = vector.broadcast %div3A_373 : f32 to vector<16xf32>
      %div3A_375 = arith.divf %div3A_374, %add3A_372 : vector<16xf32>
      %mul3A_376 = arith.constant 16 : i32
      %mul3A_377 = arith.muli %scan3A_250, %mul3A_376 : i32
      %swap3A_378 = arith.index_cast %mul3A_377 : i32 to index
      %swap3A_379 = tpu.vector_load %arg11[%swap3A_378] {strides = array<i32>} : memref<8192xf32, #tpu.memory_space<vmem>>, vector<16xf32>,
      tpu.vector_store %arg11[%swap3A_378], %div3A_375 {strides = array<i32>} : memref<8192xf32, #tpu.memory_space<vmem>>, vector<16xf32>,
      %mul3A_380 = arith.constant 2048 : i32
      %mul3A_381 = vector.broadcast %mul3A_380 : i32 to vector<16xi32>
      %mul3A_382 = arith.muli %gather3A, %mul3A_381 : vector<16xi32>
      %add3A_383 = arith.addi %mul3A_382, %gather3A_361 : vector<16xi32>
      %mul3A_384 = arith.constant 16 : i32
      %mul3A_385 = arith.muli %scan3A_250, %mul3A_384 : i32
      %swap3A_386 = arith.index_cast %mul3A_385 : i32 to index
      %swap3A_387 = tpu.vector_load %arg12[%swap3A_386] {strides = array<i32>} : memref<8192xi32, #tpu.memory_space<vmem>>, vector<16xi32>,
      tpu.vector_store %arg12[%swap3A_386], %add3A_383 {strides = array<i32>} : memref<8192xi32, #tpu.memory_space<vmem>>, vector<16xi32>,
    }
    %scan3A_64 = arith.constant 512 : i32
    %eq3A = arith.constant 0 : i32
    %eq3A_65 = arith.cmpi eq, %arg0, %eq3A : i32
    %convert_element_type3A = arith.extui %eq3A_65 : i1 to i32
    %cond3A = arith.constant 0 : i32
    %cond3A_66 = arith.cmpi ne, %convert_element_type3A, %cond3A : i32
    scf.if %cond3A_66 {
      %mul3A_250 = arith.constant 8192 : i32
      %mul3A_251 = arith.muli %arg1, %mul3A_250 : i32
      %dma_start3A_252 = tpu.memref_slice %arg5[%mul3A_251] : memref<131072xf32, #tpu.memory_space<hbm>> -> memref<8192xf32, #tpu.memory_space<hbm>>
      %dma_start3A_253 = tpu.memref_slice %arg5[%mul3A_251] : memref<131072xf32, #tpu.memory_space<hbm>> -> memref<8192xf32, #tpu.memory_space<hbm>>
      tpu.enqueue_dma source(%arg10 : memref<8192xf32, #tpu.memory_space<vmem>>) target(%dma_start3A_253 : memref<8192xf32, #tpu.memory_space<hbm>>) target_semaphore(%arg18 : memref<!tpu.dma_semaphore, #tpu.memory_space<semaphore_mem>>)
    } else {
    }
    %mul3A_67 = arith.constant 1024 : i32
    %mul3A_68 = arith.muli %arg0, %mul3A_67 : i32
    %add3A_69 = arith.constant 0 : i32
    %add3A_70 = arith.addi %mul3A_68, %add3A_69 : i32
    %mul3A_71 = arith.constant 2048 : i32
    %mul3A_72 = arith.muli %add3A_70, %mul3A_71 : i32
    %scan3A_73 = arith.constant 0 : i32
    %scan3A_74 = arith.constant 0 : i32
    %scan3A_75 = arith.constant 512 : i32
    %scan3A_76 = arith.addi %scan3A_74, %scan3A_75 : i32
    %scan3A_77 = arith.constant 1 : i32
    scf.for %scan3A_250 = %scan3A_74 to %scan3A_76 step %scan3A_77  : i32 {
      %iota3A = tpu.iota {dimensions = array<i32: 0>} : vector<16xi32>
      %mul3A_251 = arith.constant 16 : i32
      %mul3A_252 = arith.muli %scan3A_250, %mul3A_251 : i32
      %get3A = arith.index_cast %mul3A_252 : i32 to index
      %get3A_253 = tpu.vector_load %arg12[%get3A] {strides = array<i32>} : memref<8192xi32, #tpu.memory_space<vmem>>, vector<16xi32>,
      %sub3A = vector.broadcast %mul3A_72 : i32 to vector<16xi32>
      %sub3A_254 = arith.subi %get3A_253, %sub3A : vector<16xi32>
      %ge3A = arith.constant 0 : i32
      %ge3A_255 = vector.broadcast %ge3A : i32 to vector<16xi32>
      %ge3A_256 = arith.cmpi sge, %sub3A_254, %ge3A_255 : vector<16xi32>
      %lt3A = arith.constant 1048576 : i32
      %lt3A_257 = vector.broadcast %lt3A : i32 to vector<16xi32>
      %lt3A_258 = arith.cmpi slt, %sub3A_254, %lt3A_257 : vector<16xi32>
      %and3A = arith.andi %ge3A_256, %lt3A_258 : vector<16xi1>
      %add3A_259 = arith.constant 1048576 : i32
      %add3A_260 = vector.broadcast %add3A_259 : i32 to vector<16xi32>
      %add3A_261 = arith.addi %add3A_260, %iota3A : vector<16xi32>
      %select_n3A = arith.select %and3A, %sub3A_254, %add3A_261 : vector<16xi1>, vector<16xi32>
      %mul3A_262 = arith.constant 16 : i32
      %mul3A_263 = arith.muli %scan3A_250, %mul3A_262 : i32
      %swap3A = arith.index_cast %mul3A_263 : i32 to index
      %swap3A_264 = tpu.vector_load %arg13[%swap3A] {strides = array<i32>} : memref<8192xi32, #tpu.memory_space<vmem>>, vector<16xi32>,
      tpu.vector_store %arg13[%swap3A], %select_n3A {strides = array<i32>} : memref<8192xi32, #tpu.memory_space<vmem>>, vector<16xi32>,
    }
    %scan3A_78 = arith.constant 512 : i32
    %dma_wait3A_79 = tpu.memref_slice %arg15[%add3A_11] : memref<1048592xf32, #tpu.memory_space<vmem_shared>> -> memref<8192xf32, #tpu.memory_space<vmem_shared>>
    %dma_wait3A_80 = tpu.memref_slice %arg15[%add3A_11] : memref<1048592xf32, #tpu.memory_space<vmem_shared>> -> memref<8192xf32, #tpu.memory_space<vmem_shared>>
    tpu.wait_dma2 semaphore(%arg19 : memref<!tpu.dma_semaphore, #tpu.memory_space<semaphore_mem>>) src(%arg14 : memref<8192xf32, #tpu.memory_space<vmem>>) dst(%dma_wait3A_80 : memref<8192xf32, #tpu.memory_space<vmem_shared>>)
    %dma_wait3A_81 = tpu.memref_slice %arg15[%add3A_17] : memref<1048592xf32, #tpu.memory_space<vmem_shared>> -> memref<8192xf32, #tpu.memory_space<vmem_shared>>
    %dma_wait3A_82 = tpu.memref_slice %arg15[%add3A_17] : memref<1048592xf32, #tpu.memory_space<vmem_shared>> -> memref<8192xf32, #tpu.memory_space<vmem_shared>>
    tpu.wait_dma2 semaphore(%arg19 : memref<!tpu.dma_semaphore, #tpu.memory_space<semaphore_mem>>) src(%arg14 : memref<8192xf32, #tpu.memory_space<vmem>>) dst(%dma_wait3A_82 : memref<8192xf32, #tpu.memory_space<vmem_shared>>)
    %dma_wait3A_83 = tpu.memref_slice %arg15[%add3A_23] : memref<1048592xf32, #tpu.memory_space<vmem_shared>> -> memref<8192xf32, #tpu.memory_space<vmem_shared>>
    %dma_wait3A_84 = tpu.memref_slice %arg15[%add3A_23] : memref<1048592xf32, #tpu.memory_space<vmem_shared>> -> memref<8192xf32, #tpu.memory_space<vmem_shared>>
    tpu.wait_dma2 semaphore(%arg19 : memref<!tpu.dma_semaphore, #tpu.memory_space<semaphore_mem>>) src(%arg14 : memref<8192xf32, #tpu.memory_space<vmem>>) dst(%dma_wait3A_84 : memref<8192xf32, #tpu.memory_space<vmem_shared>>)
    %dma_wait3A_85 = tpu.memref_slice %arg15[%add3A_29] : memref<1048592xf32, #tpu.memory_space<vmem_shared>> -> memref<8192xf32, #tpu.memory_space<vmem_shared>>
    %dma_wait3A_86 = tpu.memref_slice %arg15[%add3A_29] : memref<1048592xf32, #tpu.memory_space<vmem_shared>> -> memref<8192xf32, #tpu.memory_space<vmem_shared>>
    tpu.wait_dma2 semaphore(%arg19 : memref<!tpu.dma_semaphore, #tpu.memory_space<semaphore_mem>>) src(%arg14 : memref<8192xf32, #tpu.memory_space<vmem>>) dst(%dma_wait3A_86 : memref<8192xf32, #tpu.memory_space<vmem_shared>>)
    %dma_wait3A_87 = tpu.memref_slice %arg15[%add3A_35] : memref<1048592xf32, #tpu.memory_space<vmem_shared>> -> memref<8192xf32, #tpu.memory_space<vmem_shared>>
    %dma_wait3A_88 = tpu.memref_slice %arg15[%add3A_35] : memref<1048592xf32, #tpu.memory_space<vmem_shared>> -> memref<8192xf32, #tpu.memory_space<vmem_shared>>
    tpu.wait_dma2 semaphore(%arg19 : memref<!tpu.dma_semaphore, #tpu.memory_space<semaphore_mem>>) src(%arg14 : memref<8192xf32, #tpu.memory_space<vmem>>) dst(%dma_wait3A_88 : memref<8192xf32, #tpu.memory_space<vmem_shared>>)
    %dma_wait3A_89 = tpu.memref_slice %arg15[%add3A_41] : memref<1048592xf32, #tpu.memory_space<vmem_shared>> -> memref<8192xf32, #tpu.memory_space<vmem_shared>>
    %dma_wait3A_90 = tpu.memref_slice %arg15[%add3A_41] : memref<1048592xf32, #tpu.memory_space<vmem_shared>> -> memref<8192xf32, #tpu.memory_space<vmem_shared>>
    tpu.wait_dma2 semaphore(%arg19 : memref<!tpu.dma_semaphore, #tpu.memory_space<semaphore_mem>>) src(%arg14 : memref<8192xf32, #tpu.memory_space<vmem>>) dst(%dma_wait3A_90 : memref<8192xf32, #tpu.memory_space<vmem_shared>>)
    %dma_wait3A_91 = tpu.memref_slice %arg15[%add3A_47] : memref<1048592xf32, #tpu.memory_space<vmem_shared>> -> memref<8192xf32, #tpu.memory_space<vmem_shared>>
    %dma_wait3A_92 = tpu.memref_slice %arg15[%add3A_47] : memref<1048592xf32, #tpu.memory_space<vmem_shared>> -> memref<8192xf32, #tpu.memory_space<vmem_shared>>
    tpu.wait_dma2 semaphore(%arg19 : memref<!tpu.dma_semaphore, #tpu.memory_space<semaphore_mem>>) src(%arg14 : memref<8192xf32, #tpu.memory_space<vmem>>) dst(%dma_wait3A_92 : memref<8192xf32, #tpu.memory_space<vmem_shared>>)
    %dma_wait3A_93 = tpu.memref_slice %arg15[%add3A_53] : memref<1048592xf32, #tpu.memory_space<vmem_shared>> -> memref<8192xf32, #tpu.memory_space<vmem_shared>>
    %dma_wait3A_94 = tpu.memref_slice %arg15[%add3A_53] : memref<1048592xf32, #tpu.memory_space<vmem_shared>> -> memref<8192xf32, #tpu.memory_space<vmem_shared>>
    tpu.wait_dma2 semaphore(%arg19 : memref<!tpu.dma_semaphore, #tpu.memory_space<semaphore_mem>>) src(%arg14 : memref<8192xf32, #tpu.memory_space<vmem>>) dst(%dma_wait3A_94 : memref<8192xf32, #tpu.memory_space<vmem_shared>>)
    %barrier3A = arith.constant 0 : index
    tpu.barrier barrier_id(%barrier3A)
    %dma_start3A_95 = arith.constant 0 : i32
    %dma_start3A_96 = tpu.memref_slice %arg15[%dma_start3A_95] : memref<1048592xf32, #tpu.memory_space<vmem_shared>> -> memref<1048592xf32, #tpu.memory_space<vmem_shared>>
    tpu.enqueue_indirect_dma source(%arg11 : memref<8192xf32, #tpu.memory_space<vmem>>) target(%dma_start3A_96 : memref<1048592xf32, #tpu.memory_space<vmem_shared>>) offsets(%arg13 : memref<8192xi32, #tpu.memory_space<vmem>>) semaphore(%arg17 : memref<!tpu.dma_semaphore, #tpu.memory_space<semaphore_mem>>)
    %dma_wait3A_97 = arith.constant 0 : i32
    %dma_wait3A_98 = tpu.memref_slice %arg15[%dma_wait3A_97] : memref<1048592xf32, #tpu.memory_space<vmem_shared>> -> memref<1048592xf32, #tpu.memory_space<vmem_shared>>
    tpu.wait_indirect_dma semaphore(%arg17 : memref<!tpu.dma_semaphore, #tpu.memory_space<semaphore_mem>>) src(%arg11 : memref<8192xf32, #tpu.memory_space<vmem>>) dst(%dma_wait3A_98 : memref<1048592xf32, #tpu.memory_space<vmem_shared>>)
    %barrier3A_99 = arith.constant 0 : index
    tpu.barrier barrier_id(%barrier3A_99)
    %mul3A_100 = arith.constant 1024 : i32
    %mul3A_101 = arith.muli %arg0, %mul3A_100 : i32
    %add3A_102 = arith.constant 0 : i32
    %add3A_103 = arith.addi %mul3A_101, %add3A_102 : i32
    %mul3A_104 = arith.constant 32 : i32
    %mul3A_105 = arith.muli %arg1, %mul3A_104 : i32
    %add3A_106 = arith.addi %add3A_103, %mul3A_105 : i32
    %scan3A_107 = arith.constant 0 : i32
    %scan3A_108 = arith.constant 0 : i32
    %scan3A_109 = arith.constant 16 : i32
    %scan3A_110 = arith.addi %scan3A_108, %scan3A_109 : i32
    %scan3A_111 = arith.constant 1 : i32
    scf.for %scan3A_250 = %scan3A_108 to %scan3A_110 step %scan3A_111  : i32 {
      %mul3A_251 = arith.constant 65536 : i32
      %mul3A_252 = arith.muli %arg1, %mul3A_251 : i32
      %mul3A_253 = arith.constant 2048 : i32
      %mul3A_254 = arith.muli %scan3A_250, %mul3A_253 : i32
      %add3A_255 = arith.addi %mul3A_252, %mul3A_254 : i32
      %add3A_256 = arith.addi %add3A_106, %scan3A_250 : i32
      %dma_start3A_257 = arith.constant 0 : i32
      %dma_start3A_258 = tpu.memref_slice %arg6[%add3A_256, %dma_start3A_257] : memref<2048x2048xf32, #tpu.memory_space<hbm>> -> memref<1x2048xf32, #tpu.memory_space<hbm>>
      %dma_start3A_259 = tpu.memref_squeeze %dma_start3A_258 : memref<1x2048xf32, #tpu.memory_space<hbm>> -> memref<2048xf32, #tpu.memory_space<hbm>>
      %dma_start3A_260 = tpu.memref_slice %arg15[%add3A_255] : memref<1048592xf32, #tpu.memory_space<vmem_shared>> -> memref<2048xf32, #tpu.memory_space<vmem_shared>>
      tpu.enqueue_dma source(%dma_start3A_260 : memref<2048xf32, #tpu.memory_space<vmem_shared>>) target(%dma_start3A_259 : memref<2048xf32, #tpu.memory_space<hbm>>) target_semaphore(%arg20 : memref<!tpu.dma_semaphore, #tpu.memory_space<semaphore_mem>>)
    }
    %scan3A_112 = arith.constant 16 : i32
    %scan3A_113 = arith.constant 0 : i32
    %scan3A_114 = arith.constant 0 : i32
    %scan3A_115 = arith.constant 16 : i32
    %scan3A_116 = arith.addi %scan3A_114, %scan3A_115 : i32
    %scan3A_117 = arith.constant 1 : i32
    scf.for %scan3A_250 = %scan3A_114 to %scan3A_116 step %scan3A_117  : i32 {
      %mul3A_251 = arith.constant 65536 : i32
      %mul3A_252 = arith.muli %arg1, %mul3A_251 : i32
      %dma_wait3A_253 = arith.constant 0 : i32
      %dma_wait3A_254 = tpu.memref_slice %arg6[%add3A_106, %dma_wait3A_253] : memref<2048x2048xf32, #tpu.memory_space<hbm>> -> memref<1x2048xf32, #tpu.memory_space<hbm>>
      %dma_wait3A_255 = tpu.memref_squeeze %dma_wait3A_254 : memref<1x2048xf32, #tpu.memory_space<hbm>> -> memref<2048xf32, #tpu.memory_space<hbm>>
      %dma_wait3A_256 = tpu.memref_slice %arg15[%mul3A_252] : memref<1048592xf32, #tpu.memory_space<vmem_shared>> -> memref<2048xf32, #tpu.memory_space<vmem_shared>>
      tpu.wait_dma2 semaphore(%arg20 : memref<!tpu.dma_semaphore, #tpu.memory_space<semaphore_mem>>) src(%dma_wait3A_256 : memref<2048xf32, #tpu.memory_space<vmem_shared>>) dst(%dma_wait3A_255 : memref<2048xf32, #tpu.memory_space<hbm>>)
    }
    %scan3A_118 = arith.constant 16 : i32
    %scan3A_119 = arith.constant 0 : i32
    %scan3A_120 = arith.constant 16 : i32
    %scan3A_121 = arith.constant 16 : i32
    %scan3A_122 = arith.addi %scan3A_120, %scan3A_121 : i32
    %scan3A_123 = arith.constant 1 : i32
    scf.for %scan3A_250 = %scan3A_120 to %scan3A_122 step %scan3A_123  : i32 {
      %mul3A_251 = arith.constant 65536 : i32
      %mul3A_252 = arith.muli %arg1, %mul3A_251 : i32
      %mul3A_253 = arith.constant 2048 : i32
      %mul3A_254 = arith.muli %scan3A_250, %mul3A_253 : i32
      %add3A_255 = arith.addi %mul3A_252, %mul3A_254 : i32
      %add3A_256 = arith.addi %add3A_106, %scan3A_250 : i32
      %dma_start3A_257 = arith.constant 0 : i32
      %dma_start3A_258 = tpu.memref_slice %arg6[%add3A_256, %dma_start3A_257] : memref<2048x2048xf32, #tpu.memory_space<hbm>> -> memref<1x2048xf32, #tpu.memory_space<hbm>>
      %dma_start3A_259 = tpu.memref_squeeze %dma_start3A_258 : memref<1x2048xf32, #tpu.memory_space<hbm>> -> memref<2048xf32, #tpu.memory_space<hbm>>
      %dma_start3A_260 = tpu.memref_slice %arg15[%add3A_255] : memref<1048592xf32, #tpu.memory_space<vmem_shared>> -> memref<2048xf32, #tpu.memory_space<vmem_shared>>
      tpu.enqueue_dma source(%dma_start3A_260 : memref<2048xf32, #tpu.memory_space<vmem_shared>>) target(%dma_start3A_259 : memref<2048xf32, #tpu.memory_space<hbm>>) target_semaphore(%arg20 : memref<!tpu.dma_semaphore, #tpu.memory_space<semaphore_mem>>)
    }
    %scan3A_124 = arith.constant 16 : i32
    %scan3A_125 = arith.constant 0 : i32
    %scan3A_126 = arith.constant 0 : i32
    %scan3A_127 = arith.constant 16 : i32
    %scan3A_128 = arith.addi %scan3A_126, %scan3A_127 : i32
    %scan3A_129 = arith.constant 1 : i32
    scf.for %scan3A_250 = %scan3A_126 to %scan3A_128 step %scan3A_129  : i32 {
      %mul3A_251 = arith.constant 65536 : i32
      %mul3A_252 = arith.muli %arg1, %mul3A_251 : i32
      %dma_wait3A_253 = arith.constant 0 : i32
      %dma_wait3A_254 = tpu.memref_slice %arg6[%add3A_106, %dma_wait3A_253] : memref<2048x2048xf32, #tpu.memory_space<hbm>> -> memref<1x2048xf32, #tpu.memory_space<hbm>>
      %dma_wait3A_255 = tpu.memref_squeeze %dma_wait3A_254 : memref<1x2048xf32, #tpu.memory_space<hbm>> -> memref<2048xf32, #tpu.memory_space<hbm>>
      %dma_wait3A_256 = tpu.memref_slice %arg15[%mul3A_252] : memref<1048592xf32, #tpu.memory_space<vmem_shared>> -> memref<2048xf32, #tpu.memory_space<vmem_shared>>
      tpu.wait_dma2 semaphore(%arg20 : memref<!tpu.dma_semaphore, #tpu.memory_space<semaphore_mem>>) src(%dma_wait3A_256 : memref<2048xf32, #tpu.memory_space<vmem_shared>>) dst(%dma_wait3A_255 : memref<2048xf32, #tpu.memory_space<hbm>>)
    }
    %scan3A_130 = arith.constant 16 : i32
    %barrier3A_131 = arith.constant 0 : index
    tpu.barrier barrier_id(%barrier3A_131)
    %mul3A_132 = arith.constant 65536 : i32
    %mul3A_133 = arith.muli %arg1, %mul3A_132 : i32
    %add3A_134 = arith.constant 0 : i32
    %add3A_135 = arith.addi %mul3A_133, %add3A_134 : i32
    %dma_start3A_136 = tpu.memref_slice %arg15[%add3A_135] : memref<1048592xf32, #tpu.memory_space<vmem_shared>> -> memref<8192xf32, #tpu.memory_space<vmem_shared>>
    %dma_start3A_137 = tpu.memref_slice %arg15[%add3A_135] : memref<1048592xf32, #tpu.memory_space<vmem_shared>> -> memref<8192xf32, #tpu.memory_space<vmem_shared>>
    tpu.enqueue_dma source(%arg14 : memref<8192xf32, #tpu.memory_space<vmem>>) target(%dma_start3A_137 : memref<8192xf32, #tpu.memory_space<vmem_shared>>) target_semaphore(%arg19 : memref<!tpu.dma_semaphore, #tpu.memory_space<semaphore_mem>>)
    %mul3A_138 = arith.constant 65536 : i32
    %mul3A_139 = arith.muli %arg1, %mul3A_138 : i32
    %add3A_140 = arith.constant 8192 : i32
    %add3A_141 = arith.addi %mul3A_139, %add3A_140 : i32
    %dma_start3A_142 = tpu.memref_slice %arg15[%add3A_141] : memref<1048592xf32, #tpu.memory_space<vmem_shared>> -> memref<8192xf32, #tpu.memory_space<vmem_shared>>
    %dma_start3A_143 = tpu.memref_slice %arg15[%add3A_141] : memref<1048592xf32, #tpu.memory_space<vmem_shared>> -> memref<8192xf32, #tpu.memory_space<vmem_shared>>
    tpu.enqueue_dma source(%arg14 : memref<8192xf32, #tpu.memory_space<vmem>>) target(%dma_start3A_143 : memref<8192xf32, #tpu.memory_space<vmem_shared>>) target_semaphore(%arg19 : memref<!tpu.dma_semaphore, #tpu.memory_space<semaphore_mem>>)
    %mul3A_144 = arith.constant 65536 : i32
    %mul3A_145 = arith.muli %arg1, %mul3A_144 : i32
    %add3A_146 = arith.constant 16384 : i32
    %add3A_147 = arith.addi %mul3A_145, %add3A_146 : i32
    %dma_start3A_148 = tpu.memref_slice %arg15[%add3A_147] : memref<1048592xf32, #tpu.memory_space<vmem_shared>> -> memref<8192xf32, #tpu.memory_space<vmem_shared>>
    %dma_start3A_149 = tpu.memref_slice %arg15[%add3A_147] : memref<1048592xf32, #tpu.memory_space<vmem_shared>> -> memref<8192xf32, #tpu.memory_space<vmem_shared>>
    tpu.enqueue_dma source(%arg14 : memref<8192xf32, #tpu.memory_space<vmem>>) target(%dma_start3A_149 : memref<8192xf32, #tpu.memory_space<vmem_shared>>) target_semaphore(%arg19 : memref<!tpu.dma_semaphore, #tpu.memory_space<semaphore_mem>>)
    %mul3A_150 = arith.constant 65536 : i32
    %mul3A_151 = arith.muli %arg1, %mul3A_150 : i32
    %add3A_152 = arith.constant 24576 : i32
    %add3A_153 = arith.addi %mul3A_151, %add3A_152 : i32
    %dma_start3A_154 = tpu.memref_slice %arg15[%add3A_153] : memref<1048592xf32, #tpu.memory_space<vmem_shared>> -> memref<8192xf32, #tpu.memory_space<vmem_shared>>
    %dma_start3A_155 = tpu.memref_slice %arg15[%add3A_153] : memref<1048592xf32, #tpu.memory_space<vmem_shared>> -> memref<8192xf32, #tpu.memory_space<vmem_shared>>
    tpu.enqueue_dma source(%arg14 : memref<8192xf32, #tpu.memory_space<vmem>>) target(%dma_start3A_155 : memref<8192xf32, #tpu.memory_space<vmem_shared>>) target_semaphore(%arg19 : memref<!tpu.dma_semaphore, #tpu.memory_space<semaphore_mem>>)
    %mul3A_156 = arith.constant 65536 : i32
    %mul3A_157 = arith.muli %arg1, %mul3A_156 : i32
    %add3A_158 = arith.constant 32768 : i32
    %add3A_159 = arith.addi %mul3A_157, %add3A_158 : i32
    %dma_start3A_160 = tpu.memref_slice %arg15[%add3A_159] : memref<1048592xf32, #tpu.memory_space<vmem_shared>> -> memref<8192xf32, #tpu.memory_space<vmem_shared>>
    %dma_start3A_161 = tpu.memref_slice %arg15[%add3A_159] : memref<1048592xf32, #tpu.memory_space<vmem_shared>> -> memref<8192xf32, #tpu.memory_space<vmem_shared>>
    tpu.enqueue_dma source(%arg14 : memref<8192xf32, #tpu.memory_space<vmem>>) target(%dma_start3A_161 : memref<8192xf32, #tpu.memory_space<vmem_shared>>) target_semaphore(%arg19 : memref<!tpu.dma_semaphore, #tpu.memory_space<semaphore_mem>>)
    %mul3A_162 = arith.constant 65536 : i32
    %mul3A_163 = arith.muli %arg1, %mul3A_162 : i32
    %add3A_164 = arith.constant 40960 : i32
    %add3A_165 = arith.addi %mul3A_163, %add3A_164 : i32
    %dma_start3A_166 = tpu.memref_slice %arg15[%add3A_165] : memref<1048592xf32, #tpu.memory_space<vmem_shared>> -> memref<8192xf32, #tpu.memory_space<vmem_shared>>
    %dma_start3A_167 = tpu.memref_slice %arg15[%add3A_165] : memref<1048592xf32, #tpu.memory_space<vmem_shared>> -> memref<8192xf32, #tpu.memory_space<vmem_shared>>
    tpu.enqueue_dma source(%arg14 : memref<8192xf32, #tpu.memory_space<vmem>>) target(%dma_start3A_167 : memref<8192xf32, #tpu.memory_space<vmem_shared>>) target_semaphore(%arg19 : memref<!tpu.dma_semaphore, #tpu.memory_space<semaphore_mem>>)
    %mul3A_168 = arith.constant 65536 : i32
    %mul3A_169 = arith.muli %arg1, %mul3A_168 : i32
    %add3A_170 = arith.constant 49152 : i32
    %add3A_171 = arith.addi %mul3A_169, %add3A_170 : i32
    %dma_start3A_172 = tpu.memref_slice %arg15[%add3A_171] : memref<1048592xf32, #tpu.memory_space<vmem_shared>> -> memref<8192xf32, #tpu.memory_space<vmem_shared>>
    %dma_start3A_173 = tpu.memref_slice %arg15[%add3A_171] : memref<1048592xf32, #tpu.memory_space<vmem_shared>> -> memref<8192xf32, #tpu.memory_space<vmem_shared>>
    tpu.enqueue_dma source(%arg14 : memref<8192xf32, #tpu.memory_space<vmem>>) target(%dma_start3A_173 : memref<8192xf32, #tpu.memory_space<vmem_shared>>) target_semaphore(%arg19 : memref<!tpu.dma_semaphore, #tpu.memory_space<semaphore_mem>>)
    %mul3A_174 = arith.constant 65536 : i32
    %mul3A_175 = arith.muli %arg1, %mul3A_174 : i32
    %add3A_176 = arith.constant 57344 : i32
    %add3A_177 = arith.addi %mul3A_175, %add3A_176 : i32
    %dma_start3A_178 = tpu.memref_slice %arg15[%add3A_177] : memref<1048592xf32, #tpu.memory_space<vmem_shared>> -> memref<8192xf32, #tpu.memory_space<vmem_shared>>
    %dma_start3A_179 = tpu.memref_slice %arg15[%add3A_177] : memref<1048592xf32, #tpu.memory_space<vmem_shared>> -> memref<8192xf32, #tpu.memory_space<vmem_shared>>
    tpu.enqueue_dma source(%arg14 : memref<8192xf32, #tpu.memory_space<vmem>>) target(%dma_start3A_179 : memref<8192xf32, #tpu.memory_space<vmem_shared>>) target_semaphore(%arg19 : memref<!tpu.dma_semaphore, #tpu.memory_space<semaphore_mem>>)
    %mul3A_180 = arith.constant 1024 : i32
    %mul3A_181 = arith.muli %arg0, %mul3A_180 : i32
    %add3A_182 = arith.constant 512 : i32
    %add3A_183 = arith.addi %mul3A_181, %add3A_182 : i32
    %mul3A_184 = arith.constant 2048 : i32
    %mul3A_185 = arith.muli %add3A_183, %mul3A_184 : i32
    %scan3A_186 = arith.constant 0 : i32
    %scan3A_187 = arith.constant 0 : i32
    %scan3A_188 = arith.constant 512 : i32
    %scan3A_189 = arith.addi %scan3A_187, %scan3A_188 : i32
    %scan3A_190 = arith.constant 1 : i32
    scf.for %scan3A_250 = %scan3A_187 to %scan3A_189 step %scan3A_190  : i32 {
      %iota3A = tpu.iota {dimensions = array<i32: 0>} : vector<16xi32>
      %mul3A_251 = arith.constant 16 : i32
      %mul3A_252 = arith.muli %scan3A_250, %mul3A_251 : i32
      %get3A = arith.index_cast %mul3A_252 : i32 to index
      %get3A_253 = tpu.vector_load %arg12[%get3A] {strides = array<i32>} : memref<8192xi32, #tpu.memory_space<vmem>>, vector<16xi32>,
      %sub3A = vector.broadcast %mul3A_185 : i32 to vector<16xi32>
      %sub3A_254 = arith.subi %get3A_253, %sub3A : vector<16xi32>
      %ge3A = arith.constant 0 : i32
      %ge3A_255 = vector.broadcast %ge3A : i32 to vector<16xi32>
      %ge3A_256 = arith.cmpi sge, %sub3A_254, %ge3A_255 : vector<16xi32>
      %lt3A = arith.constant 1048576 : i32
      %lt3A_257 = vector.broadcast %lt3A : i32 to vector<16xi32>
      %lt3A_258 = arith.cmpi slt, %sub3A_254, %lt3A_257 : vector<16xi32>
      %and3A = arith.andi %ge3A_256, %lt3A_258 : vector<16xi1>
      %add3A_259 = arith.constant 1048576 : i32
      %add3A_260 = vector.broadcast %add3A_259 : i32 to vector<16xi32>
      %add3A_261 = arith.addi %add3A_260, %iota3A : vector<16xi32>
      %select_n3A = arith.select %and3A, %sub3A_254, %add3A_261 : vector<16xi1>, vector<16xi32>
      %mul3A_262 = arith.constant 16 : i32
      %mul3A_263 = arith.muli %scan3A_250, %mul3A_262 : i32
      %swap3A = arith.index_cast %mul3A_263 : i32 to index
      %swap3A_264 = tpu.vector_load %arg13[%swap3A] {strides = array<i32>} : memref<8192xi32, #tpu.memory_space<vmem>>, vector<16xi32>,
      tpu.vector_store %arg13[%swap3A], %select_n3A {strides = array<i32>} : memref<8192xi32, #tpu.memory_space<vmem>>, vector<16xi32>,
    }
    %scan3A_191 = arith.constant 512 : i32
    %dma_wait3A_192 = tpu.memref_slice %arg15[%add3A_135] : memref<1048592xf32, #tpu.memory_space<vmem_shared>> -> memref<8192xf32, #tpu.memory_space<vmem_shared>>
    %dma_wait3A_193 = tpu.memref_slice %arg15[%add3A_135] : memref<1048592xf32, #tpu.memory_space<vmem_shared>> -> memref<8192xf32, #tpu.memory_space<vmem_shared>>
    tpu.wait_dma2 semaphore(%arg19 : memref<!tpu.dma_semaphore, #tpu.memory_space<semaphore_mem>>) src(%arg14 : memref<8192xf32, #tpu.memory_space<vmem>>) dst(%dma_wait3A_193 : memref<8192xf32, #tpu.memory_space<vmem_shared>>)
    %dma_wait3A_194 = tpu.memref_slice %arg15[%add3A_141] : memref<1048592xf32, #tpu.memory_space<vmem_shared>> -> memref<8192xf32, #tpu.memory_space<vmem_shared>>
    %dma_wait3A_195 = tpu.memref_slice %arg15[%add3A_141] : memref<1048592xf32, #tpu.memory_space<vmem_shared>> -> memref<8192xf32, #tpu.memory_space<vmem_shared>>
    tpu.wait_dma2 semaphore(%arg19 : memref<!tpu.dma_semaphore, #tpu.memory_space<semaphore_mem>>) src(%arg14 : memref<8192xf32, #tpu.memory_space<vmem>>) dst(%dma_wait3A_195 : memref<8192xf32, #tpu.memory_space<vmem_shared>>)
    %dma_wait3A_196 = tpu.memref_slice %arg15[%add3A_147] : memref<1048592xf32, #tpu.memory_space<vmem_shared>> -> memref<8192xf32, #tpu.memory_space<vmem_shared>>
    %dma_wait3A_197 = tpu.memref_slice %arg15[%add3A_147] : memref<1048592xf32, #tpu.memory_space<vmem_shared>> -> memref<8192xf32, #tpu.memory_space<vmem_shared>>
    tpu.wait_dma2 semaphore(%arg19 : memref<!tpu.dma_semaphore, #tpu.memory_space<semaphore_mem>>) src(%arg14 : memref<8192xf32, #tpu.memory_space<vmem>>) dst(%dma_wait3A_197 : memref<8192xf32, #tpu.memory_space<vmem_shared>>)
    %dma_wait3A_198 = tpu.memref_slice %arg15[%add3A_153] : memref<1048592xf32, #tpu.memory_space<vmem_shared>> -> memref<8192xf32, #tpu.memory_space<vmem_shared>>
    %dma_wait3A_199 = tpu.memref_slice %arg15[%add3A_153] : memref<1048592xf32, #tpu.memory_space<vmem_shared>> -> memref<8192xf32, #tpu.memory_space<vmem_shared>>
    tpu.wait_dma2 semaphore(%arg19 : memref<!tpu.dma_semaphore, #tpu.memory_space<semaphore_mem>>) src(%arg14 : memref<8192xf32, #tpu.memory_space<vmem>>) dst(%dma_wait3A_199 : memref<8192xf32, #tpu.memory_space<vmem_shared>>)
    %dma_wait3A_200 = tpu.memref_slice %arg15[%add3A_159] : memref<1048592xf32, #tpu.memory_space<vmem_shared>> -> memref<8192xf32, #tpu.memory_space<vmem_shared>>
    %dma_wait3A_201 = tpu.memref_slice %arg15[%add3A_159] : memref<1048592xf32, #tpu.memory_space<vmem_shared>> -> memref<8192xf32, #tpu.memory_space<vmem_shared>>
    tpu.wait_dma2 semaphore(%arg19 : memref<!tpu.dma_semaphore, #tpu.memory_space<semaphore_mem>>) src(%arg14 : memref<8192xf32, #tpu.memory_space<vmem>>) dst(%dma_wait3A_201 : memref<8192xf32, #tpu.memory_space<vmem_shared>>)
    %dma_wait3A_202 = tpu.memref_slice %arg15[%add3A_165] : memref<1048592xf32, #tpu.memory_space<vmem_shared>> -> memref<8192xf32, #tpu.memory_space<vmem_shared>>
    %dma_wait3A_203 = tpu.memref_slice %arg15[%add3A_165] : memref<1048592xf32, #tpu.memory_space<vmem_shared>> -> memref<8192xf32, #tpu.memory_space<vmem_shared>>
    tpu.wait_dma2 semaphore(%arg19 : memref<!tpu.dma_semaphore, #tpu.memory_space<semaphore_mem>>) src(%arg14 : memref<8192xf32, #tpu.memory_space<vmem>>) dst(%dma_wait3A_203 : memref<8192xf32, #tpu.memory_space<vmem_shared>>)
    %dma_wait3A_204 = tpu.memref_slice %arg15[%add3A_171] : memref<1048592xf32, #tpu.memory_space<vmem_shared>> -> memref<8192xf32, #tpu.memory_space<vmem_shared>>
    %dma_wait3A_205 = tpu.memref_slice %arg15[%add3A_171] : memref<1048592xf32, #tpu.memory_space<vmem_shared>> -> memref<8192xf32, #tpu.memory_space<vmem_shared>>
    tpu.wait_dma2 semaphore(%arg19 : memref<!tpu.dma_semaphore, #tpu.memory_space<semaphore_mem>>) src(%arg14 : memref<8192xf32, #tpu.memory_space<vmem>>) dst(%dma_wait3A_205 : memref<8192xf32, #tpu.memory_space<vmem_shared>>)
    %dma_wait3A_206 = tpu.memref_slice %arg15[%add3A_177] : memref<1048592xf32, #tpu.memory_space<vmem_shared>> -> memref<8192xf32, #tpu.memory_space<vmem_shared>>
    %dma_wait3A_207 = tpu.memref_slice %arg15[%add3A_177] : memref<1048592xf32, #tpu.memory_space<vmem_shared>> -> memref<8192xf32, #tpu.memory_space<vmem_shared>>
    tpu.wait_dma2 semaphore(%arg19 : memref<!tpu.dma_semaphore, #tpu.memory_space<semaphore_mem>>) src(%arg14 : memref<8192xf32, #tpu.memory_space<vmem>>) dst(%dma_wait3A_207 : memref<8192xf32, #tpu.memory_space<vmem_shared>>)
    %barrier3A_208 = arith.constant 0 : index
    tpu.barrier barrier_id(%barrier3A_208)
    %dma_start3A_209 = arith.constant 0 : i32
    %dma_start3A_210 = tpu.memref_slice %arg15[%dma_start3A_209] : memref<1048592xf32, #tpu.memory_space<vmem_shared>> -> memref<1048592xf32, #tpu.memory_space<vmem_shared>>
    tpu.enqueue_indirect_dma source(%arg11 : memref<8192xf32, #tpu.memory_space<vmem>>) target(%dma_start3A_210 : memref<1048592xf32, #tpu.memory_space<vmem_shared>>) offsets(%arg13 : memref<8192xi32, #tpu.memory_space<vmem>>) semaphore(%arg17 : memref<!tpu.dma_semaphore, #tpu.memory_space<semaphore_mem>>)
    %dma_wait3A_211 = arith.constant 0 : i32
    %dma_wait3A_212 = tpu.memref_slice %arg15[%dma_wait3A_211] : memref<1048592xf32, #tpu.memory_space<vmem_shared>> -> memref<1048592xf32, #tpu.memory_space<vmem_shared>>
    tpu.wait_indirect_dma semaphore(%arg17 : memref<!tpu.dma_semaphore, #tpu.memory_space<semaphore_mem>>) src(%arg11 : memref<8192xf32, #tpu.memory_space<vmem>>) dst(%dma_wait3A_212 : memref<1048592xf32, #tpu.memory_space<vmem_shared>>)
    %barrier3A_213 = arith.constant 0 : index
    tpu.barrier barrier_id(%barrier3A_213)
    %mul3A_214 = arith.constant 1024 : i32
    %mul3A_215 = arith.muli %arg0, %mul3A_214 : i32
    %add3A_216 = arith.constant 512 : i32
    %add3A_217 = arith.addi %mul3A_215, %add3A_216 : i32
    %mul3A_218 = arith.constant 32 : i32
    %mul3A_219 = arith.muli %arg1, %mul3A_218 : i32
    %add3A_220 = arith.addi %add3A_217, %mul3A_219 : i32
    %scan3A_221 = arith.constant 0 : i32
    %scan3A_222 = arith.constant 0 : i32
    %scan3A_223 = arith.constant 16 : i32
    %scan3A_224 = arith.addi %scan3A_222, %scan3A_223 : i32
    %scan3A_225 = arith.constant 1 : i32
    scf.for %scan3A_250 = %scan3A_222 to %scan3A_224 step %scan3A_225  : i32 {
      %mul3A_251 = arith.constant 65536 : i32
      %mul3A_252 = arith.muli %arg1, %mul3A_251 : i32
      %mul3A_253 = arith.constant 2048 : i32
      %mul3A_254 = arith.muli %scan3A_250, %mul3A_253 : i32
      %add3A_255 = arith.addi %mul3A_252, %mul3A_254 : i32
      %add3A_256 = arith.addi %add3A_220, %scan3A_250 : i32
      %dma_start3A_257 = arith.constant 0 : i32
      %dma_start3A_258 = tpu.memref_slice %arg6[%add3A_256, %dma_start3A_257] : memref<2048x2048xf32, #tpu.memory_space<hbm>> -> memref<1x2048xf32, #tpu.memory_space<hbm>>
      %dma_start3A_259 = tpu.memref_squeeze %dma_start3A_258 : memref<1x2048xf32, #tpu.memory_space<hbm>> -> memref<2048xf32, #tpu.memory_space<hbm>>
      %dma_start3A_260 = tpu.memref_slice %arg15[%add3A_255] : memref<1048592xf32, #tpu.memory_space<vmem_shared>> -> memref<2048xf32, #tpu.memory_space<vmem_shared>>
      tpu.enqueue_dma source(%dma_start3A_260 : memref<2048xf32, #tpu.memory_space<vmem_shared>>) target(%dma_start3A_259 : memref<2048xf32, #tpu.memory_space<hbm>>) target_semaphore(%arg20 : memref<!tpu.dma_semaphore, #tpu.memory_space<semaphore_mem>>)
    }
    %scan3A_226 = arith.constant 16 : i32
    %scan3A_227 = arith.constant 0 : i32
    %scan3A_228 = arith.constant 0 : i32
    %scan3A_229 = arith.constant 16 : i32
    %scan3A_230 = arith.addi %scan3A_228, %scan3A_229 : i32
    %scan3A_231 = arith.constant 1 : i32
    scf.for %scan3A_250 = %scan3A_228 to %scan3A_230 step %scan3A_231  : i32 {
      %mul3A_251 = arith.constant 65536 : i32
      %mul3A_252 = arith.muli %arg1, %mul3A_251 : i32
      %dma_wait3A_253 = arith.constant 0 : i32
      %dma_wait3A_254 = tpu.memref_slice %arg6[%add3A_220, %dma_wait3A_253] : memref<2048x2048xf32, #tpu.memory_space<hbm>> -> memref<1x2048xf32, #tpu.memory_space<hbm>>
      %dma_wait3A_255 = tpu.memref_squeeze %dma_wait3A_254 : memref<1x2048xf32, #tpu.memory_space<hbm>> -> memref<2048xf32, #tpu.memory_space<hbm>>
      %dma_wait3A_256 = tpu.memref_slice %arg15[%mul3A_252] : memref<1048592xf32, #tpu.memory_space<vmem_shared>> -> memref<2048xf32, #tpu.memory_space<vmem_shared>>
      tpu.wait_dma2 semaphore(%arg20 : memref<!tpu.dma_semaphore, #tpu.memory_space<semaphore_mem>>) src(%dma_wait3A_256 : memref<2048xf32, #tpu.memory_space<vmem_shared>>) dst(%dma_wait3A_255 : memref<2048xf32, #tpu.memory_space<hbm>>)
    }
    %scan3A_232 = arith.constant 16 : i32
    %scan3A_233 = arith.constant 0 : i32
    %scan3A_234 = arith.constant 16 : i32
    %scan3A_235 = arith.constant 16 : i32
    %scan3A_236 = arith.addi %scan3A_234, %scan3A_235 : i32
    %scan3A_237 = arith.constant 1 : i32
    scf.for %scan3A_250 = %scan3A_234 to %scan3A_236 step %scan3A_237  : i32 {
      %mul3A_251 = arith.constant 65536 : i32
      %mul3A_252 = arith.muli %arg1, %mul3A_251 : i32
      %mul3A_253 = arith.constant 2048 : i32
      %mul3A_254 = arith.muli %scan3A_250, %mul3A_253 : i32
      %add3A_255 = arith.addi %mul3A_252, %mul3A_254 : i32
      %add3A_256 = arith.addi %add3A_220, %scan3A_250 : i32
      %dma_start3A_257 = arith.constant 0 : i32
      %dma_start3A_258 = tpu.memref_slice %arg6[%add3A_256, %dma_start3A_257] : memref<2048x2048xf32, #tpu.memory_space<hbm>> -> memref<1x2048xf32, #tpu.memory_space<hbm>>
      %dma_start3A_259 = tpu.memref_squeeze %dma_start3A_258 : memref<1x2048xf32, #tpu.memory_space<hbm>> -> memref<2048xf32, #tpu.memory_space<hbm>>
      %dma_start3A_260 = tpu.memref_slice %arg15[%add3A_255] : memref<1048592xf32, #tpu.memory_space<vmem_shared>> -> memref<2048xf32, #tpu.memory_space<vmem_shared>>
      tpu.enqueue_dma source(%dma_start3A_260 : memref<2048xf32, #tpu.memory_space<vmem_shared>>) target(%dma_start3A_259 : memref<2048xf32, #tpu.memory_space<hbm>>) target_semaphore(%arg20 : memref<!tpu.dma_semaphore, #tpu.memory_space<semaphore_mem>>)
    }
    %scan3A_238 = arith.constant 16 : i32
    %scan3A_239 = arith.constant 0 : i32
    %scan3A_240 = arith.constant 0 : i32
    %scan3A_241 = arith.constant 16 : i32
    %scan3A_242 = arith.addi %scan3A_240, %scan3A_241 : i32
    %scan3A_243 = arith.constant 1 : i32
    scf.for %scan3A_250 = %scan3A_240 to %scan3A_242 step %scan3A_243  : i32 {
      %mul3A_251 = arith.constant 65536 : i32
      %mul3A_252 = arith.muli %arg1, %mul3A_251 : i32
      %dma_wait3A_253 = arith.constant 0 : i32
      %dma_wait3A_254 = tpu.memref_slice %arg6[%add3A_220, %dma_wait3A_253] : memref<2048x2048xf32, #tpu.memory_space<hbm>> -> memref<1x2048xf32, #tpu.memory_space<hbm>>
      %dma_wait3A_255 = tpu.memref_squeeze %dma_wait3A_254 : memref<1x2048xf32, #tpu.memory_space<hbm>> -> memref<2048xf32, #tpu.memory_space<hbm>>
      %dma_wait3A_256 = tpu.memref_slice %arg15[%mul3A_252] : memref<1048592xf32, #tpu.memory_space<vmem_shared>> -> memref<2048xf32, #tpu.memory_space<vmem_shared>>
      tpu.wait_dma2 semaphore(%arg20 : memref<!tpu.dma_semaphore, #tpu.memory_space<semaphore_mem>>) src(%dma_wait3A_256 : memref<2048xf32, #tpu.memory_space<vmem_shared>>) dst(%dma_wait3A_255 : memref<2048xf32, #tpu.memory_space<hbm>>)
    }
    %scan3A_244 = arith.constant 16 : i32
    %eq3A_245 = arith.constant 0 : i32
    %eq3A_246 = arith.cmpi eq, %arg0, %eq3A_245 : i32
    %convert_element_type3A_247 = arith.extui %eq3A_246 : i1 to i32
    %cond3A_248 = arith.constant 0 : i32
    %cond3A_249 = arith.cmpi ne, %convert_element_type3A_247, %cond3A_248 : i32
    scf.if %cond3A_249 {
      %mul3A_250 = arith.constant 8192 : i32
      %mul3A_251 = arith.muli %arg1, %mul3A_250 : i32
      %dma_wait3A_252 = tpu.memref_slice %arg5[%mul3A_251] : memref<131072xf32, #tpu.memory_space<hbm>> -> memref<8192xf32, #tpu.memory_space<hbm>>
      %dma_wait3A_253 = tpu.memref_slice %arg5[%mul3A_251] : memref<131072xf32, #tpu.memory_space<hbm>> -> memref<8192xf32, #tpu.memory_space<hbm>>
      tpu.wait_dma2 semaphore(%arg18 : memref<!tpu.dma_semaphore, #tpu.memory_space<semaphore_mem>>) src(%arg10 : memref<8192xf32, #tpu.memory_space<vmem>>) dst(%dma_wait3A_253 : memref<8192xf32, #tpu.memory_space<hbm>>)
    } else {
    }
    return
  }
}

module attributes {stable_mosaic.version = 14 : i64} {
  func.func @_tc_vals_body(%arg0: memref<2048x151xf32, #tpu.memory_space<vmem>>, %arg1: memref<151x256xf32, #tpu.memory_space<vmem>>, %arg2: memref<1x256xf32, #tpu.memory_space<vmem>>, %arg3: memref<151x256xf32, #tpu.memory_space<vmem>>, %arg4: memref<1x256xf32, #tpu.memory_space<vmem>>, %arg5: memref<1x256xf32, #tpu.memory_space<vmem>>, %arg6: memref<1x256xf32, #tpu.memory_space<vmem>>, %arg7: memref<1x1xf32, #tpu.memory_space<vmem>>, %arg8: memref<2048xf32, #tpu.memory_space<vmem>>, %arg9: memref<2048xf32, #tpu.memory_space<vmem>>) attributes {dimension_semantics = [], scalar_prefetch = 0 : i64, scratch_operands = 0 : i64, tpu.core_type = #tpu.core_type<tc>} {
    %get3A = arith.constant 0 : index
    %get3A_0 = arith.constant 0 : index
    %get3A_1 = vector.load %arg0[%get3A, %get3A_0] : memref<2048x151xf32, #tpu.memory_space<vmem>>, vector<2048x151xf32>
    %reduce_max3A = arith.constant dense<0xFF800000> : vector<2048xf32>
    %reduce_max3A_2 = vector.multi_reduction <maximumf>, %get3A_1, %reduce_max3A [1] : vector<2048x151xf32> to vector<2048xf32>
    %broadcast_in_dim3A = vector.shape_cast %reduce_max3A_2 : vector<2048xf32> to vector<2048x1xf32>
    %sub3A = vector.broadcast %broadcast_in_dim3A : vector<2048x1xf32> to vector<2048x151xf32>
    %sub3A_3 = arith.subf %get3A_1, %sub3A : vector<2048x151xf32>
    %exp3A = math.exp %sub3A_3 : vector<2048x151xf32>
    %reduce_sum3A = arith.constant dense<0.000000e+00> : vector<2048xf32>
    %reduce_sum3A_4 = vector.multi_reduction <add>, %exp3A, %reduce_sum3A [1] : vector<2048x151xf32> to vector<2048xf32>
    %broadcast_in_dim3A_5 = vector.shape_cast %reduce_sum3A_4 : vector<2048xf32> to vector<2048x1xf32>
    %div3A = vector.broadcast %broadcast_in_dim3A_5 : vector<2048x1xf32> to vector<2048x151xf32>
    %div3A_6 = arith.divf %exp3A, %div3A : vector<2048x151xf32>
    %get3A_7 = arith.constant 0 : index
    %get3A_8 = arith.constant 0 : index
    %get3A_9 = vector.load %arg1[%get3A_7, %get3A_8] : memref<151x256xf32, #tpu.memory_space<vmem>>, vector<151x256xf32>
    %dot_general3A = arith.constant dense<0.000000e+00> : vector<2048x256xf32>
    %dot_general3A_10 = tpu.matmul %div3A_6, %get3A_9, %dot_general3A {dimension_numbers = #tpu.dot_dimension_numbers<[1], [0], [0], [1], [0, 0, 1, 1], [], []>, transpose_lhs_hint = false} : vector<2048x151xf32>, vector<151x256xf32>, vector<2048x256xf32> -> vector<2048x256xf32>
    %get3A_11 = arith.constant 0 : index
    %get3A_12 = arith.constant 0 : index
    %get3A_13 = vector.load %arg2[%get3A_11, %get3A_12] : memref<1x256xf32, #tpu.memory_space<vmem>>, vector<1x256xf32>
    %add3A = vector.broadcast %get3A_13 : vector<1x256xf32> to vector<2048x256xf32>
    %add3A_14 = arith.addf %dot_general3A_10, %add3A : vector<2048x256xf32>
    %max3A = arith.constant 0.000000e+00 : f32
    %max3A_15 = vector.broadcast %max3A : f32 to vector<2048x256xf32>
    %max3A_16 = arith.maximumf %add3A_14, %max3A_15 : vector<2048x256xf32>
    %get3A_17 = arith.constant 0 : index
    %get3A_18 = arith.constant 0 : index
    %get3A_19 = vector.load %arg3[%get3A_17, %get3A_18] : memref<151x256xf32, #tpu.memory_space<vmem>>, vector<151x256xf32>
    %dot_general3A_20 = arith.constant dense<0.000000e+00> : vector<2048x256xf32>
    %dot_general3A_21 = tpu.matmul %div3A_6, %get3A_19, %dot_general3A_20 {dimension_numbers = #tpu.dot_dimension_numbers<[1], [0], [0], [1], [0, 0, 1, 1], [], []>, transpose_lhs_hint = false} : vector<2048x151xf32>, vector<151x256xf32>, vector<2048x256xf32> -> vector<2048x256xf32>
    %get3A_22 = arith.constant 0 : index
    %get3A_23 = arith.constant 0 : index
    %get3A_24 = vector.load %arg4[%get3A_22, %get3A_23] : memref<1x256xf32, #tpu.memory_space<vmem>>, vector<1x256xf32>
    %add3A_25 = vector.broadcast %get3A_24 : vector<1x256xf32> to vector<2048x256xf32>
    %add3A_26 = arith.addf %dot_general3A_21, %add3A_25 : vector<2048x256xf32>
    %max3A_27 = arith.constant 0.000000e+00 : f32
    %max3A_28 = vector.broadcast %max3A_27 : f32 to vector<2048x256xf32>
    %max3A_29 = arith.maximumf %add3A_26, %max3A_28 : vector<2048x256xf32>
    %get3A_30 = arith.constant 0 : index
    %get3A_31 = arith.constant 0 : index
    %get3A_32 = vector.load %arg5[%get3A_30, %get3A_31] : memref<1x256xf32, #tpu.memory_space<vmem>>, vector<1x256xf32>
    %mul3A = vector.broadcast %get3A_32 : vector<1x256xf32> to vector<2048x256xf32>
    %mul3A_33 = arith.mulf %max3A_16, %mul3A : vector<2048x256xf32>
    %reduce_sum3A_34 = arith.constant dense<0.000000e+00> : vector<2048xf32>
    %reduce_sum3A_35 = vector.multi_reduction <add>, %mul3A_33, %reduce_sum3A_34 [1] : vector<2048x256xf32> to vector<2048xf32>
    %get3A_36 = arith.constant 0 : index
    %get3A_37 = arith.constant 0 : index
    %get3A_38 = vector.load %arg7[%get3A_36, %get3A_37] : memref<1x1xf32, #tpu.memory_space<vmem>>, vector<1x1xf32>
    %get3A_39 = vector.extract %get3A_38[0, 0] : f32 from vector<1x1xf32>
    %add3A_40 = vector.broadcast %get3A_39 : f32 to vector<2048xf32>
    %add3A_41 = arith.addf %reduce_sum3A_35, %add3A_40 : vector<2048xf32>
    %swap3A = arith.constant 0 : index
    %swap3A_42 = vector.load %arg8[%swap3A] : memref<2048xf32, #tpu.memory_space<vmem>>, vector<2048xf32>
    tpu.vector_store %arg8[%swap3A], %add3A_41 {strides = array<i32>} : memref<2048xf32, #tpu.memory_space<vmem>>, vector<2048xf32>,
    %get3A_43 = arith.constant 0 : index
    %get3A_44 = arith.constant 0 : index
    %get3A_45 = vector.load %arg6[%get3A_43, %get3A_44] : memref<1x256xf32, #tpu.memory_space<vmem>>, vector<1x256xf32>
    %mul3A_46 = vector.broadcast %get3A_45 : vector<1x256xf32> to vector<2048x256xf32>
    %mul3A_47 = arith.mulf %max3A_29, %mul3A_46 : vector<2048x256xf32>
    %reduce_sum3A_48 = arith.constant dense<0.000000e+00> : vector<2048xf32>
    %reduce_sum3A_49 = vector.multi_reduction <add>, %mul3A_47, %reduce_sum3A_48 [1] : vector<2048x256xf32> to vector<2048xf32>
    %swap3A_50 = arith.constant 0 : index
    %swap3A_51 = vector.load %arg9[%swap3A_50] : memref<2048xf32, #tpu.memory_space<vmem>>, vector<2048xf32>
    tpu.vector_store %arg9[%swap3A_50], %reduce_sum3A_49 {strides = array<i32>} : memref<2048xf32, #tpu.memory_space<vmem>>, vector<2048xf32>,
    return
  }
}

</mosaic_0001>

<sc_bundles>
// kernel: kernel.4.cloned.1.call-start
scs
__scs_entry_jumppad:
0x0: {  	(pc) =	sbr.rel $0x88, $3  }
0x1: {  	(tag) =	ssettag $0x0;
	lr =	simm.s32 $0x1  }
0x2: {  	[smem:$0x3F99] =	sst lr;
	_ =	strace $0xD0000000  }
0x3: {  	_ = 	snop  }
0x4: {  	_ = 	snop  }
0x5: {  	_ = 	snop  }
0x6: {  	_ = 	snop  }
0x7: {  	_ = 	snop  }
__scs_overlays_trampoline_lowered:
0x8: {  	[smem:$0x3FA8] =	sst s0  }
0x9: {  	[smem:$0x3FA9] =	sst s1  }
0xa: {  	[smem:$0x3FAA] =	sst s2  }
0xb: {  	[smem:$0x3FAB] =	sst s3  }
0xc: {  	[smem:$0x3FAC] =	sst s4  }
0xd: {  	[smem:$0x3FAD] =	sst s5  }
0xe: {  	[smem:$0x3FAE] =	sst s6  }
0xf: {  	[smem:$0x3FAF] =	sst s7  }
0x10: {  	[smem:$0x3FB0] =	sst s8  }
0x11: {  	[smem:$0x3FB1] =	sst s9;
	s0 =	simm.s32 @!p0 $0x0  }
0x12: {  	s1 =	sld [smem:$0x3F97];
	s0 =	simm.s32 @p0 $0x1  }
0x13: {  	[smem:$0x3FB2] =	sst s0;
	s0 =	simm.s32 @!p1 $0x0  }
0x14: {  	s2 =	sld [smem:$0x3F96];
	s0 =	simm.s32 @p1 $0x1  }
0x15: {  	[smem:$0x3FB3] =	sst s0;
	s0 =	simm.s32 @!p2 $0x0  }
0x16: {  	s3 =	sld [smem:$0x3FDB];
	s0 =	simm.s32 @p2 $0x1  }
0x17: {  	s4 =	simm.s32 $0x1BF5;
	[smem:$0x3FB5] =	sst s0  }
0x18: {  	s0 =	sld [smem:$0x3F98];
	_ =	swait.ge [sflag:s4], $0x0  }
0x19: {  	s7 =	sld [smem:$0x3F99]  }
0x1a: {  	s8 =	sadd.s32 $0xFFFFE003, lr  }
0x1b: {  	s9 =	sadd.s32 $0xFFFFFEF7, lr;
	s5 =	simm.s32 $0xFFFFFFFF;
	p2 =	slt.u32 s8, $0xFFFFF086  }
0x1c: {  	p1 =	slt.u32 s9, $0xF7A;
	s5 =	simm.s32 @!p2 $0x0  }
0x1d: {  	s5 =	simm.s32 @p1 $0x1;
	p0 =	seq.s32 s7, s2  }
0x1e: {  	s7 =	smul.u32 @!p0 $0xF7A, s2;
	p2 =	seq.s32 @!p0 s5, $0x0  }
0x1f: {  	s9 =	smul.u32 $0xF7A, s1;
	s8 =	simm.s32 @!p0 $0x1BF5;
	p2 =	por !p2, p0  }
0x20: {  	[sflag:s8] =	ssyncset.s32 @!p0 $0xFFFFF086;
	s6 =	sadd.s32 @!p0 s3, s7;
	s7 =	simm.s32 @!p0 $0x108  }
0x21: {  	s3 =	sadd.s32 s3, s9;
	s6 =	sadd.s32 @!p0 $0x88, s6;
	s7 =	simm.s32 @p2 $0x1082  }
0x22: {  	[simem:s7], [sflag:s8] =	dma.local @!p0 [hbm:s6], $0xF7A  }
0x23: {  	s9 =	sor.u32 $0xD0000000, s2;
	s6 =	simm.s32 $0x108;
	_ =	swait.ge @!p0 [sflag:s8], $0x0  }
0x24: {  	s3 =	sadd.s32 $0x88, s3;
	s6 =	simm.s32 @!p1 $0x1082;
	[sflag:s4] =	ssyncset.s32 $0xFFFFF086  }
0x25: {  	[simem:s6], [sflag:s4] =	dma.local [hbm:s3], $0xF7A  }
0x26: {  	[smem:$0x3F99] =	sst s1;
	(tag) =	ssettag s2;
	_ =	strace s9  }
0x27: {  	s1 =	sld [smem:$0x3FA9]  }
0x28: {  	s2 =	sld [smem:$0x3FAA]  }
0x29: {  	s4 =	sld [smem:$0x3FAC]  }
0x2a: {  	p0 =	seq.s32 s5, $0x0;
	s5 =	sld [smem:$0x3FAD]  }
0x2b: {  	s6 =	sld [smem:$0x3FAE]  }
0x2c: {  	s7 =	sld [smem:$0x3FAF]  }
0x2d: {  	s3 =	simm.s32 $0x108;
	s8 =	sld [smem:$0x3FB0]  }
0x2e: {  	s3 =	simm.s32 @!p0 $0x1082;
	s9 =	sld [smem:$0x3FB1]  }
0x2f: {  	lr =	sadd.s32 s0, s3;
	s0 =	sld [smem:$0x3FA8]  }
0x30: {  	s3 =	sld [smem:$0x3FAB]  }
0x31: {  	[smem:$0x3FB4] =	sst s10  }
0x32: {  	s10 =	sld [smem:$0x3FB2];
	_ =	sdelay $0x3  }
0x33: {  	p0 =	seq.s32 s10, $0x1;
	s10 =	sld [smem:$0x3FB4];
	_ =	sdelay $0x3  }
0x34: {  	[smem:$0x3FB4] =	sst s10  }
0x35: {  	s10 =	sld [smem:$0x3FB3];
	_ =	sdelay $0x3  }
0x36: {  	p1 =	seq.s32 s10, $0x1;
	s10 =	sld [smem:$0x3FB4];
	_ =	sdelay $0x3  }
0x37: {  	[smem:$0x3FB4] =	sst s10  }
0x38: {  	s10 =	sld [smem:$0x3FB5]  }
0x39: {  	_ = 	snop;
	(pc) =	sbr.ind lr, $3  }
0x3a: {  	_ = 	snop  }
0x3b: {  	_ = 	snop  }
0x3c: {  	p2 =	seq.s32 s10, $0x1;
	s10 =	sld [smem:$0x3FB4]  }
0x3d: {  	_ =	shalt  }
0x3e: {  	_ =	shalt  }
0x3f: {  	_ =	shalt  }
0x40: {  	_ =	shalt  }
0x41: {  	_ =	shalt  }
0x42: {  	_ =	shalt  }
0x43: {  	_ =	shalt  }
0x44: {  	_ =	shalt  }
0x45: {  	_ =	shalt  }
0x46: {  	_ =	shalt  }
0x47: {  	_ =	shalt  }
0x48: {  	_ =	shalt  }
0x49: {  	_ =	shalt  }
0x4a: {  	_ =	shalt  }
0x4b: {  	_ =	shalt  }
0x4c: {  	_ =	shalt  }
0x4d: {  	_ =	shalt  }
0x4e: {  	_ =	shalt  }
0x4f: {  	_ =	shalt  }
0x50: {  	_ =	shalt  }
0x51: {  	_ =	shalt  }
0x52: {  	_ =	shalt  }
0x53: {  	_ =	shalt  }
0x54: {  	_ =	shalt  }
0x55: {  	_ =	shalt  }
0x56: {  	_ =	shalt  }
0x57: {  	_ =	shalt  }
0x58: {  	_ =	shalt  }
0x59: {  	_ =	shalt  }
0x5a: {  	_ =	shalt  }
0x5b: {  	_ =	shalt  }
0x5c: {  	_ =	shalt  }
0x5d: {  	_ =	shalt  }
0x5e: {  	_ =	shalt  }
0x5f: {  	_ =	shalt  }
0x60: {  	_ =	shalt  }
0x61: {  	_ =	shalt  }
0x62: {  	_ =	shalt  }
0x63: {  	_ =	shalt  }
0x64: {  	_ =	shalt  }
0x65: {  	_ =	shalt  }
0x66: {  	_ =	shalt  }
0x67: {  	_ =	shalt  }
0x68: {  	_ =	shalt  }
0x69: {  	_ =	shalt  }
0x6a: {  	_ =	shalt  }
0x6b: {  	_ =	shalt  }
0x6c: {  	_ =	shalt  }
0x6d: {  	_ =	shalt  }
0x6e: {  	_ =	shalt  }
0x6f: {  	_ =	shalt  }
0x70: {  	_ =	shalt  }
0x71: {  	_ =	shalt  }
0x72: {  	_ =	shalt  }
0x73: {  	_ =	shalt  }
0x74: {  	_ =	shalt  }
0x75: {  	_ =	shalt  }
0x76: {  	_ =	shalt  }
0x77: {  	_ =	shalt  }
0x78: {  	_ =	shalt  }
0x79: {  	_ =	shalt  }
0x7a: {  	_ =	shalt  }
0x7b: {  	_ =	shalt  }
0x7c: {  	_ =	shalt  }
0x7d: {  	_ =	shalt  }
0x7e: {  	_ =	shalt  }
0x7f: {  	_ =	shalt  }
0x80: {  	_ =	shalt  }
0x81: {  	_ =	shalt  }
0x82: {  	_ =	shalt  }
0x83: {  	_ =	shalt  }
0x84: {  	_ =	shalt  }
0x85: {  	_ =	shalt  }
0x86: {  	_ =	shalt  }
0x87: {  	_ =	shalt  }
.Lfunc_end0:
.L_simem_size_0:
called_computation_lowered:
.L_overlay_start_0:
0x88: {  	s2 =	sld [smem:$0x3FD9]  }
0x89: {  	s3 =	sld [smem:$0x3FFE];
	_ =	sdelay $0x1  }
0x8a: {  	s1 =	srdreg.scid  }
0x8b: {  	s0 =	sand.u32 $0x1, s1  }
0x8c: {  	s14 =	sshll.u32 s0, $0xA;
	s2 =	sadd.s32 s3, s2  }
0x8d: {  	s2 =	sadd.s32 s2, s14  }
0x8e: {  	[smem:$0x3FC0] =	sst s2  }
0x8f: {  	_ = 	snop  }
0x90: {  	s2 =	sld [smem:$0x3FD0];
	_ =	sdelay $0x2  }
0x91: {  	s15 =	simm.s32 $0xA;
	s4 =	simm.s32 $0x10  }
0x92: {  	[smem:s4], [sflag:s15] =	dma.local [hbm:s2], $0x1  }
0x93: {  	_ =	swait.eq [sflag:s15], $0x1  }
0x94: {  	[sflag:s15] =	ssyncset.done $0x0  }
0x95: {  	s16 =	sld [smem:$0x10];
	[sflag:s15] =	ssyncadd.s32 $0xFFFFFFFF  }
0x96: {  	s17 =	sld [smem:$0x11];
	(tm) =	ssettm $0x1  }
0x97: {  	s18 =	sld [smem:$0x3FFB];
	_ =	sdelay $0x3  }
0x98: {  	_ =	strace s18  }
0x99: {  	s4 =	sld [smem:$0x3FFC];
	_ =	sdelay $0x3  }
0x9a: {  	_ =	strace s4  }
0x9b: {  	s4 =	sld [smem:$0x3FFD];
	_ =	sdelay $0x3  }
0x9c: {  	_ =	strace s4  }
0x9d: {  	_ =	strace $0x8FFFFFFF  }
0x9e: {  	s19 =	sld [smem:$0x3FDB];
	_ =	sdelay $0x1  }
0x9f: {  	s5 =	simm.s32 $_scs_section_size  }
0xa0: {  	s6 =	simm.s32 $_size__tile_overlayer_lowered;
	s7 =	simm.s32 $_tile_overlayer_lowered  }
0xa1: {  	s22 =	simm.s32 $0x1BFF;
	s21 =	sshll.u32 s7, $0x1;
	s4 =	sadd.s32 s5, s19  }
0xa2: {  	s8 =	simm.s32 $0x0;
	s20 =	sshll.u32 s6, $0x1;
	s6 =	sadd.s32 s21, s4  }
0xa3: {  	[timem:s8], [sflag:s22] =	dma.local [hbm:s6], s20  }
0xa4: {  	_ =	swait.ge [sflag:s22], s20  }
0xa5: {  	s5 =	ssub.s32 $0x0, s20;
	[sflag:s22] =	ssyncset.done $0x0  }
0xa6: {  	[sflag:s22] =	ssyncadd.s32 s5;
	_ =	sdelay $0x1  }
0xa7: {  	s23 =	simm.s32 $0x1B8B  }
0xa8: {  	_ =	swait.ge [sflag:s23], $0x1  }
0xa9: {  	[sflag:s23] =	ssyncset.done $0x0  }
0xaa: {  	s25 =	simm.s32 $0x1B8E;
	s24 =	sld [smem:$0x3FFE];
	[sflag:s23] =	ssyncadd.s32 $0xFFFFFFFF  }
0xab: {  	s26 =	simm.s32 $execute0_lowered;
	[smem:$0x3FD2] =	sst s25  }
0xac: {  	s6 =	sshll.u32 s26, $0x1;
	_ =	strace $0x80000046;
	[dreg:$0x1] =	wrdreg $0xFFFFFFFF  }
0xad: {  	s28 =	simm.s32 $_size_execute0_lowered;
	s4 =	sadd.s32 s4, s6;
	[dreg:$0x0] =	wrdreg $0x0  }
0xae: {  	s6 =	sshll.u32 s28, $0x1;
	[dreg:$0x2] =	wrdreg s4  }
0xaf: {  	[dreg:$0x3] =	wrdreg s6  }
0xb0: {  	[dreg:$0x4] =	wrdreg $0xC0  }
0xb1: {  	_ =	task [dreg:s8], $0x5FFFF  }
0xb2: {  	[dreg:$0x1] =	wrdreg $0xFFFFFFFF  }
0xb3: {  	[dreg:$0x0] =	wrdreg $0x60  }
0xb4: {  	[dreg:$0x2] =	wrdreg s24  }
0xb5: {  	[dreg:$0x3] =	wrdreg s16  }
0xb6: {  	[dreg:$0x4] =	wrdreg s17  }
0xb7: {  	[dreg:$0x5] =	wrdreg $0xF0000  }
0xb8: {  	[dreg:$0x6] =	wrdreg $0x9  }
0xb9: {  	_ =	task.clear_ibuf [dreg:s8], $0x7FFFF;
	_ =	strace $0x90000046  }
0xba: {  	s29 =	simm.s32 $0x9;
	_ =	strace $0x80000048  }
0xbb: {  	_ =	swait.ge [sflag:s29], $0x1  }
0xbc: {  	[sflag:s29] =	ssyncadd.s32 $0xFFFFFFFF  }
0xbd: {  	_ =	strace $0x90000048  }
0xbe: {  	_ =	sfence  }
0xbf: {  	s30 =	sld [smem:$0x0];
	_ =	sdelay $0x2  }
0xc0: {  	s31 =	sshll.u32 s1, $0xD;
	s1 =	sshrl.u32 s1, $0x2  }
0xc1: {  	s3 =	sand.u32 $0x4000, s31;
	s1 =	sadd.s32 s1, s30  }
0xc2: {  	s0 =	sor.u32 s3, s0;
	s1 =	sshll.u32 s1, $0x11  }
0xc3: {  	s0 =	sor.u32 s1, s0  }
0xc4: {  	s0 =	sadd.s32 $0x8F2B, s0  }
0xc5: {  	[sflag:s0] =	ssyncadd.remote.s32 $0x1  }
0xc6: {  	_ =	sfence.sel $0xFFFF  }
0xc7: {  	[dreg:$0x0] =	wrdreg $0xFFFFFFFF;
	(pc) =	sbr.abs _section_cstart, $3  }
0xc8: {  	[dreg:$0x1] =	wrdreg $0xFFFFFFFF  }
0xc9: {  	_ =	task.clear_ibuf [dreg:s8], $0x2FFFF;
	_ =	strace $0x9FFFFFFF  }
0xca: {  	(tm) =	ssettm $0x7FFFFFFF  }
0xcb: {  	_ =	shalt  }
tec
execute0_lowered:
.L_overlay_start_1:
0x0: {  	(tag) =	ssettag $0x1  }
0x1: {  	s0 =	rddreg [dreg:$0x0]  }
0x2: {  	s1 =	rddreg [dreg:$0x1]  }
0x3: {  	s2 =	rddreg [dreg:$0x2]  }
0x4: {  	s9 =	rddreg [dreg:$0x3];
	s4 =	simm.s32 $0x0;
	s16 =	stileid.u32  }
0x5: {  	s3 =	srdreg.scid;
	s22 =	simm.s32 $0x4000;
	s23 =	simm.s32 $0x4800  }
0x6: {  	s31 =	simm.s32 $0x2;
	[smem:$0x7FF] =	sst s4;
	s5 =	sshll.u32 s16, $0xB  }
0x7: {  	s3 =	sand.u32 $0x1, s3;
	s7 =	sadd.s32 $0x1A00, s0;
	s8 =	sshll.u32 s16, $0x10  }
0x8: {  	s26 =	sshll.u32 s16, $0xA;
	s16 =	sshll.u32 s16, $0xD;
	_ =	strace $0x80000047  }
0x9: {  	s5 =	sadd.s32 s5, s0;
	s6 =	ssub.s32 $0x2, s3;
	[dreg:$0x5] =	wrdreg s7  }
0xa: {  	s0 =	sadd.s32 $0x1C00, s0;
	s7 =	sadd.s32 s8, s9;
	s28 =	sshll.u32 s3, $0x15  }
0xb: {  	s29 =	sshll.u32 s3, $0x12;
	s1 =	sadd.s32 s1, s26;
	p0 =	sne.s32 s3, $0x0  }
0xc: {  	s26 =	simm.s32 $0x4;
	s3 =	simm.s32 $0x5;
	s24 =	sshrl.u32 s6, $0x1  }
0xd: {  	[dreg:$0x6] =	wrdreg s0;
	s5 =	sadd.s32 $0x201A00, s5;
	s9 =	sadd.s32 $0x2000, s7  }
0xe: {  	s10 =	sadd.s32 $0x4000, s7;
	s11 =	sadd.s32 $0x6000, s7;
	s12 =	sadd.s32 $0x8000, s7  }
0xf: {  	s13 =	sadd.s32 $0xA000, s7;
	s14 =	sadd.s32 $0xC000, s7;
	s15 =	sadd.s32 $0xE000, s7  }
0x10: {  	[dreg:$0x8] =	wrdreg s1;
	s30 =	sor.u32 $0x100000, s28;
	s17 =	sor.u32 s29, s16  }
0x11: {  	v6 =	vlaneseq.u32;
	s1 =	simm.s32 $0x10;
	s25 =	ssub.s32 s6, s24;
	[dreg:$0x7] =	wrdreg s5  }
0x12: {  	v0 =	vmul.u32 $0x2, v6;
	s19 =	sor.u32 $0x1000, s17;
	s20 =	sor.u32 $0x20000, s17;
	s21 =	sor.u32 $0x21000, s17  }
0x13: {  	v3 =	vimm.f32 $0.0e+00;
	v4 =	vimm.s32 $0x0;
	v6 =	vor.u32 $0x100000, v6;
	s24 =	simm.s32 $0xD000;
	s5 =	simm.s32 $0x0;
	s0 =	smax.u32 s25, $0x1  }
0x14: {  	v1 =	vmov s28;
	v5 =	vor.u32 $0x1, v0;
	v2 =	vmov s30;
	s25 =	simm.s32 $0x1;
	[dreg:$0x9] =	wrdreg s0;
	s0 =	simm.s32 $0x80  }
.LBB2_1:
0x15: {  	s6 =	rddreg [dreg:$0x7]  }
0x16: {  	[tilespmem:s4], [sflag:$0x1] =	stream.linear.gather [hbm4b:s6+s4], $0x4000, $0x38;
	[tilespmem:$0x1F008] =	vst v63  }
0x17: {  	s29 =	rddreg [dreg:$0x5]  }
0x18: {  	[tilespmem:s22], [sflag:$0x1] =	stream.linear.gather [hbm4b:s29+s4], $0x800, $0x38;
	[tilespmem:$0x1F008] =	vst v63  }
0x19: {  	s30 =	rddreg [dreg:$0x6];
	s8 =	simm.s32 $0x0;
	s6 =	simm.s32 $0x40  }
0x1a: {  	[tilespmem:s23], [sflag:$0x1] =	stream.linear.gather [hbm4b:s30+s4], $0x800, $0x38;
	[tilespmem:$0x1F008] =	vst v63  }
.LBB2_2:
0x1b: {  	p1 =	sne.s32 s6, $0x7FC0;
	[tilespmem:s8+$0xD000] =	vst v3;
	s8 =	smov.u32 s6;
	s6 =	sadd.s32 $0x40, s6  }
.Ltmp0:
0x1c: {  	(pc) =	sbr.rel @p1 .LBB2_2-.Ltmp0, $2  }
0x1d: {  	_ =	sdelay $0x2  }
0x1e: {  	s8 =	sshra.s32 s8, $0x2  }
0x1f: {  	[tilespmem:s8+$0xD000] =	vst v3  }
0x20: {  	[spmem:s7] =	stream.linear.scatter [tilespmem:s24], [sflag:$0x4], $0x2000, $0x38;
	[tilespmem:$0x1F008] =	vst v63  }
0x21: {  	_ = 	snop  }
0x22: {  	[spmem:s9] =	stream.linear.scatter [tilespmem:s24], [sflag:$0x4], $0x2000, $0x38;
	[tilespmem:$0x1F008] =	vst v63  }
0x23: {  	_ = 	snop  }
0x24: {  	[spmem:s10] =	stream.linear.scatter [tilespmem:s24], [sflag:$0x4], $0x2000, $0x38;
	[tilespmem:$0x1F008] =	vst v63  }
0x25: {  	_ = 	snop  }
0x26: {  	[spmem:s11] =	stream.linear.scatter [tilespmem:s24], [sflag:$0x4], $0x2000, $0x38;
	[tilespmem:$0x1F008] =	vst v63  }
0x27: {  	_ = 	snop  }
0x28: {  	[spmem:s12] =	stream.linear.scatter [tilespmem:s24], [sflag:$0x4], $0x2000, $0x38;
	[tilespmem:$0x1F008] =	vst v63  }
0x29: {  	_ = 	snop  }
0x2a: {  	[spmem:s13] =	stream.linear.scatter [tilespmem:s24], [sflag:$0x4], $0x2000, $0x38;
	[tilespmem:$0x1F008] =	vst v63  }
0x2b: {  	s6 =	simm.s32 $0x0  }
0x2c: {  	v7 =	vor.u32 s6, v0;
	[spmem:s14] =	stream.linear.scatter [tilespmem:s24], [sflag:$0x4], $0x2000, $0x38;
	[tilespmem:$0x1F008] =	vst v63  }
0x2d: {  	v8 =	vmov s6;
	v7 =	vand.u32 $0x7E, v7  }
0x2e: {  	vm0 =	veq.s32 v8, v0;
	vm1 =	vne.s32 v7, $0x0;
	[spmem:s15] =	stream.linear.scatter [tilespmem:s24], [sflag:$0x4], $0x2000, $0x38;
	[tilespmem:$0x1F008] =	vst v63  }
0x2f: {  	vm0 =	vmand vm0, vm1;
	_ =	swait.ge [sflag:s25], $0x4000  }
0x30: {  	v8 =	vsel vm0, $0xFFFFFFFF, v4;
	[sflag:s25] =	ssyncset.done $0x0  }
0x31: {  	v8 =	vshll.u32 v8, $0x7;
	[sflag:s25] =	ssyncadd.s32 $0xFFFFC000  }
0x32: {  	v8 =	vadd.s32 s6, v8;
	_ =	swait.ge [sflag:s25], $0x800  }
0x33: {  	v9 =	vor.u32 s6, v5;
	v8 =	vand.u32 $0xFFFFFF80, v8;
	[sflag:s25] =	ssyncset.done $0x0  }
0x34: {  	v7 =	vor.u32 v7, v8;
	[sflag:s25] =	ssyncadd.s32 $0xFFFFF800  }
0x35: {  	_ =	swait.ge [sflag:s25], $0x800  }
0x36: {  	[sflag:s25] =	ssyncset.done $0x0  }
0x37: {  	[sflag:s25] =	ssyncadd.s32 $0xFFFFF800  }
0x38: {  	v8 =	vld.idx.msk [tilespmem:v9+s4+$0x0], $0xffff  }
0x39: {  	v7 =	vld.idx.msk [tilespmem:v7+s4+$0x0], $0xffff;
	_ =	sdelay $0x6  }
0x3a: {  	v9 =	vld.idx.msk [tilespmem:v8+s23+$0x0], $0xffff  }
0x3b: {  	v10 =	vld.idx.msk [tilespmem:v7+s22+$0x0], $0xffff;
	_ =	sdelay $0x4  }
0x3c: {  	v9 =	vadd.f32 v9, v10;
	_ =	sdelay $0x1  }
0x3d: {  	v10 =	vsub.f32 $0.0e+00, v9;
	_ =	sdelay $0x1  }
0x3e: {  	v10 =	vmul.f32 $1.442695020e+00, v10;
	_ =	sdelay $0x1  }
0x3f: {  	(erf) = vpow2.f32 v10;
	_ =	sdelay $0x8  }
0x40: {  	v10 =	vpop (erf)  }
0x41: {  	v10 =	vadd.f32 $1.000000000e+00, v10  }
0x42: {  	s16 =	simm.s32 $0x20  }
0x43: {  	(erf) = vrcp.f32 v10;
	v10 =	vor.u32 s16, v0  }
0x44: {  	v11 =	vmov s16;
	v10 =	vand.u32 $0x7E, v10  }
0x45: {  	vm14 =	veq.s32 v11, v0;
	vm15 =	vne.s32 v10, $0x0  }
0x46: {  	vm0 =	vmand vm14, vm15  }
0x47: {  	v11 =	vsel vm0, $0xFFFFFFFF, v4  }
0x48: {  	v11 =	vshll.u32 v11, $0x7  }
0x49: {  	s6 =	simm.s32 $0x5000;
	v11 =	vadd.s32 s16, v11  }
0x4a: {  	v7 =	vshll.u32 v7, $0xB;
	[tilespmem:s6+$0x0] =	vst v9;
	v9 =	vand.u32 $0xFFFFFF80, v11  }
0x4b: {  	v7 =	vadd.s32 v8, v7;
	v8 =	vor.u32 v10, v9;
	v9 =	vor.u32 s16, v5  }
0x4c: {  	s8 =	simm.s32 $0x7000;
	v11 =	vpop (erf)  }
0x4d: {  	s18 =	simm.s32 $0x9000;
	s28 =	simm.s32 $0x40;
	s16 =	simm.s32 $0x9010;
	[tilespmem:s8+$0x0] =	vst v11  }
.LBB2_4:
0x4e: {  	s6 =	sadd.s32 $0x10, s6;
	s8 =	sadd.s32 $0x10, s8  }
0x4f: {  	[tilespmem:s18+$0x0] =	vst v7;
	s29 =	smov.u32 s28;
	s30 =	sadd.s32 $0x20, s28;
	s18 =	smov.u32 s16  }
0x50: {  	p1 =	sne.s32 s28, $0x3FE0;
	v7 =	vld.idx.msk [tilespmem:v9+s4+$0x0], $0xffff  }
0x51: {  	v8 =	vld.idx.msk [tilespmem:v8+s4+$0x0], $0xffff;
	_ =	sdelay $0x5  }
0x52: {  	v9 =	vshll.u32 v8, $0xB  }
0x53: {  	v10 =	vld.idx.msk [tilespmem:v7+s23+$0x0], $0xffff;
	v7 =	vadd.s32 v7, v9  }
0x54: {  	v8 =	vld.idx.msk [tilespmem:v8+s22+$0x0], $0xffff;
	_ =	sdelay $0x5  }
0x55: {  	v8 =	vadd.f32 v10, v8;
	_ =	sdelay $0x1  }
0x56: {  	[tilespmem:s6+$0x0] =	vst v8;
	v8 =	vsub.f32 $0.0e+00, v8;
	_ =	sdelay $0x1  }
0x57: {  	v8 =	vmul.f32 $1.442695020e+00, v8;
	_ =	sdelay $0x1  }
0x58: {  	(erf) = vpow2.f32 v8;
	_ =	sdelay $0x8  }
0x59: {  	v8 =	vpop (erf)  }
0x5a: {  	v8 =	vadd.f32 $1.000000000e+00, v8;
	_ =	sdelay $0x1  }
0x5b: {  	v9 =	vor.u32 s29, v0;
	(erf) = vrcp.f32 v8  }
0x5c: {  	v10 =	vand.u32 $0x7E, v9;
	v8 =	vmov s29  }
0x5d: {  	vm1 =	vne.s32 v10, $0x0;
	vm0 =	veq.s32 v8, v0  }
0x5e: {  	vm0 =	vmand vm0, vm1  }
0x5f: {  	v8 =	vsel vm0, $0xFFFFFFFF, v4  }
0x60: {  	v8 =	vshll.u32 v8, $0x7  }
.Ltmp1:
0x61: {  	v8 =	vadd.s32 s29, v8;
	(pc) =	sbr.rel @p1 .LBB2_4-.Ltmp1, $4  }
0x62: {  	v9 =	vor.u32 s29, v5;
	v8 =	vand.u32 $0xFFFFFF80, v8  }
0x63: {  	v8 =	vor.u32 v10, v8  }
0x64: {  	v10 =	vpop (erf)  }
0x65: {  	s16 =	sadd.s32 $0x10, s16;
	s28 =	smov.u32 s30;
	[tilespmem:s8+$0x0] =	vst v10  }
0x66: {  	_ =	sdelay $0x2  }
0x67: {  	[tilespmem:s18+$0x0] =	vst v7  }
0x68: {  	v7 =	vld.idx.msk [tilespmem:v9+s4+$0x0], $0xffff  }
0x69: {  	v8 =	vld.idx.msk [tilespmem:v8+s4+$0x0], $0xffff;
	_ =	sdelay $0x6  }
0x6a: {  	v9 =	vld.idx.msk [tilespmem:v7+s23+$0x0], $0xffff  }
0x6b: {  	v10 =	vld.idx.msk [tilespmem:v8+s22+$0x0], $0xffff;
	_ =	sdelay $0x4  }
0x6c: {  	v9 =	vadd.f32 v9, v10;
	_ =	sdelay $0x1  }
0x6d: {  	v10 =	vsub.f32 $0.0e+00, v9;
	_ =	sdelay $0x1  }
0x6e: {  	v10 =	vmul.f32 $1.442695020e+00, v10;
	_ =	sdelay $0x1  }
0x6f: {  	(erf) = vpow2.f32 v10;
	_ =	sdelay $0x8  }
0x70: {  	v10 =	vpop (erf)  }
0x71: {  	v10 =	vadd.f32 $1.000000000e+00, v10;
	_ =	sdelay $0x1  }
0x72: {  	(erf) = vrcp.f32 v10;
	_ =	sdelay $0x7  }
0x73: {  	s6 =	sadd.s32 $0x10, s6  }
0x74: {  	s8 =	sadd.s32 $0x10, s8;
	v8 =	vshll.u32 v8, $0xB;
	[tilespmem:s6+$0x0] =	vst v9;
	v63 =	vpop (erf)  }
0x75: {  	v7 =	vadd.s32 v7, v8;
	[tilespmem:s8+$0x0] =	vst v63  }
0x76: {  	s6 =	simm.s32 @!p0 $0x0;
	s8 =	simm.s32 @!p0 $0x5000;
	[tilespmem:s16+$0x0] =	vst v7;
	s16 =	rddreg [dreg:$0x8]  }
0x77: {  	[hbm4b:s16+s6] =	stream.linear.scatter @!p0 [tilespmem:s8], [sflag:$0x3], $0x2000, $0x38;
	[tilespmem:$0x1F008] =	vst v63  }
0x78: {  	s6 =	simm.s32 $0x0  }
0x79: {  	s8 =	simm.s32 $0x40;
	v7 =	vld [tilespmem:s6+$0x9000]  }
.LBB2_6:
0x7a: {  	_ =	sdelay $0x1  }
0x7b: {  	p1 =	sne.s32 s8, $0x7FC0  }
.Ltmp2:
0x7c: {  	_ = 	snop;
	(pc) =	sbr.rel @p1 .LBB2_6-.Ltmp2, $4  }
0x7d: {  	v8 =	vsub.s32 v7, v1  }
0x7e: {  	vm0 =	vlt.u32 v8, $0x100000  }
0x7f: {  	s16 =	sshra.s32 s8, $0x2;
	v8 =	vsel vm0, v8, v6  }
0x80: {  	s8 =	sadd.s32 $0x40, s8;
	v7 =	vld [tilespmem:s16+$0x9000];
	[tilespmem:s6+$0xB000] =	vst v8;
	s6 =	smov.u32 s16  }
0x81: {  	_ =	sdelay $0x3  }
0x82: {  	v7 =	vsub.s32 v7, v1  }
0x83: {  	vm0 =	vlt.u32 v7, $0x100000  }
0x84: {  	v7 =	vsel vm0, v7, v6  }
0x85: {  	[tilespmem:s6+$0xB000] =	vst v7  }
0x86: {  	_ =	swait.ge [sflag:s26], $0x2000  }
0x87: {  	[sflag:s26] =	ssyncset.done $0x0  }
0x88: {  	[sflag:s26] =	ssyncadd.s32 $0xFFFFE000  }
0x89: {  	_ =	swait.ge [sflag:s26], $0x2000  }
0x8a: {  	[sflag:s26] =	ssyncset.done $0x0  }
0x8b: {  	[sflag:s26] =	ssyncadd.s32 $0xFFFFE000  }
0x8c: {  	_ =	swait.ge [sflag:s26], $0x2000  }
0x8d: {  	[sflag:s26] =	ssyncset.done $0x0  }
0x8e: {  	[sflag:s26] =	ssyncadd.s32 $0xFFFFE000  }
0x8f: {  	_ =	swait.ge [sflag:s26], $0x2000  }
0x90: {  	[sflag:s26] =	ssyncset.done $0x0  }
0x91: {  	[sflag:s26] =	ssyncadd.s32 $0xFFFFE000  }
0x92: {  	_ =	swait.ge [sflag:s26], $0x2000  }
0x93: {  	[sflag:s26] =	ssyncset.done $0x0  }
0x94: {  	[sflag:s26] =	ssyncadd.s32 $0xFFFFE000  }
0x95: {  	_ =	swait.ge [sflag:s26], $0x2000  }
0x96: {  	[sflag:s26] =	ssyncset.done $0x0  }
0x97: {  	[sflag:s26] =	ssyncadd.s32 $0xFFFFE000  }
0x98: {  	_ =	swait.ge [sflag:s26], $0x2000  }
0x99: {  	[sflag:s26] =	ssyncset.done $0x0  }
0x9a: {  	[sflag:s26] =	ssyncadd.s32 $0xFFFFE000  }
0x9b: {  	_ =	swait.ge [sflag:s26], $0x2000  }
0x9c: {  	[sflag:s26] =	ssyncset.done $0x0  }
0x9d: {  	[sflag:s26] =	ssyncadd.s32 $0xFFFFE000  }
0x9e: {  	s8 =	simm.s32 $0x2000;
	s16 =	simm.s32 $0xB000;
	[bflag:$0x0] =	sbarrier.arrive $0xFFFF  }
0x9f: {  	s18 =	simm.s32 $0x7000;
	s29 =	stileid.u32;
	s30 =	rddreg [dreg:$0x3]  }
0xa0: {  	[spmem:s30] =	stream.indirect.scatter [tilespmem:s18], [sflag:$0x2], $0x1, s16, s8, $0xb8;
	[tilespmem:$0x1F008] =	vst v63  }
0xa1: {  	s28 =	sand.u32 $0x5E800, s17;
	s29 =	sshll.u32 s29, $0x6;
	s30 =	simm.s32 $0x0  }
0xa2: {  	s8 =	simm.s32 $0x10;
	_ =	swait.ge [sflag:s31], $0x2000;
	s6 =	sand.u32 $0x70, s30  }
0xa3: {  	s16 =	sadd.s32 $0x800, s7;
	[sflag:s31] =	ssyncset.done $0x0;
	s6 =	sadd.s32 s2, s6  }
0xa4: {  	s18 =	sadd.s32 $0x100, s17;
	[sflag:s31] =	ssyncadd.s32 $0xFFFFE000;
	s28 =	sadd.s32 s28, s6  }
0xa5: {  	s6 =	sor.u32 $0x1C05, s29;
	s29 =	sshrl.u32 s7, $0x3;
	[bflag:$0x0] =	sbarrier.arrive $0xFFFF  }
.LBB2_8:
0xa6: {  	[hbm:s28@s0], [sflag:s6] =	dma.strided [spmem:s29@s1], $0x100, s25, $0x10   }
0xa7: {  	s28 =	smov.u32 s8  }
0xa8: {  	s29 =	smov.u32 s16;
	s30 =	smov.u32 s18;
	p1 =	sne.s32 s8, $0xF0  }
.Ltmp3:
0xa9: {  	s8 =	sadd.s32 $0x10, s8;
	(pc) =	sbr.rel @p1 .LBB2_8-.Ltmp3, $4  }
0xaa: {  	_ = 	snop  }
0xab: {  	s16 =	sadd.s32 $0x800, s16;
	s18 =	sadd.s32 $0x100, s18;
	s28 =	sand.u32 $0x70, s28  }
0xac: {  	s30 =	sand.u32 $0x5E800, s30;
	s28 =	sadd.s32 s2, s28  }
0xad: {  	s29 =	sshrl.u32 s29, $0x3;
	s28 =	sadd.s32 s30, s28  }
0xae: {  	[hbm:s28@s0], [sflag:s6] =	dma.strided [spmem:s29@s1], $0x100, s25, $0x10   }
0xaf: {  	_ =	swait.ge [sflag:s3], $0x100  }
0xb0: {  	[sflag:s3] =	ssyncset.done $0x0  }
0xb1: {  	[sflag:s3] =	ssyncadd.s32 $0xFFFFFF00  }
0xb2: {  	_ =	swait.ge [sflag:s3], $0x100  }
0xb3: {  	[sflag:s3] =	ssyncset.done $0x0  }
0xb4: {  	[sflag:s3] =	ssyncadd.s32 $0xFFFFFF00  }
0xb5: {  	_ =	swait.ge [sflag:s3], $0x100  }
0xb6: {  	[sflag:s3] =	ssyncset.done $0x0  }
0xb7: {  	[sflag:s3] =	ssyncadd.s32 $0xFFFFFF00  }
0xb8: {  	_ =	swait.ge [sflag:s3], $0x100  }
0xb9: {  	[sflag:s3] =	ssyncset.done $0x0  }
0xba: {  	[sflag:s3] =	ssyncadd.s32 $0xFFFFFF00  }
0xbb: {  	_ =	swait.ge [sflag:s3], $0x100  }
0xbc: {  	[sflag:s3] =	ssyncset.done $0x0  }
0xbd: {  	[sflag:s3] =	ssyncadd.s32 $0xFFFFFF00  }
0xbe: {  	_ =	swait.ge [sflag:s3], $0x100  }
0xbf: {  	[sflag:s3] =	ssyncset.done $0x0  }
0xc0: {  	[sflag:s3] =	ssyncadd.s32 $0xFFFFFF00  }
0xc1: {  	_ =	swait.ge [sflag:s3], $0x100  }
0xc2: {  	[sflag:s3] =	ssyncset.done $0x0  }
0xc3: {  	[sflag:s3] =	ssyncadd.s32 $0xFFFFFF00  }
0xc4: {  	_ =	swait.ge [sflag:s3], $0x100  }
0xc5: {  	[sflag:s3] =	ssyncset.done $0x0  }
0xc6: {  	[sflag:s3] =	ssyncadd.s32 $0xFFFFFF00  }
0xc7: {  	_ =	swait.ge [sflag:s3], $0x100  }
0xc8: {  	[sflag:s3] =	ssyncset.done $0x0  }
0xc9: {  	[sflag:s3] =	ssyncadd.s32 $0xFFFFFF00  }
0xca: {  	_ =	swait.ge [sflag:s3], $0x100  }
0xcb: {  	[sflag:s3] =	ssyncset.done $0x0  }
0xcc: {  	[sflag:s3] =	ssyncadd.s32 $0xFFFFFF00  }
0xcd: {  	_ =	swait.ge [sflag:s3], $0x100  }
0xce: {  	[sflag:s3] =	ssyncset.done $0x0  }
0xcf: {  	[sflag:s3] =	ssyncadd.s32 $0xFFFFFF00  }
0xd0: {  	_ =	swait.ge [sflag:s3], $0x100  }
0xd1: {  	[sflag:s3] =	ssyncset.done $0x0  }
0xd2: {  	[sflag:s3] =	ssyncadd.s32 $0xFFFFFF00  }
0xd3: {  	_ =	swait.ge [sflag:s3], $0x100  }
0xd4: {  	[sflag:s3] =	ssyncset.done $0x0  }
0xd5: {  	[sflag:s3] =	ssyncadd.s32 $0xFFFFFF00  }
0xd6: {  	_ =	swait.ge [sflag:s3], $0x100  }
0xd7: {  	[sflag:s3] =	ssyncset.done $0x0  }
0xd8: {  	[sflag:s3] =	ssyncadd.s32 $0xFFFFFF00  }
0xd9: {  	_ =	swait.ge [sflag:s3], $0x100  }
0xda: {  	[sflag:s3] =	ssyncset.done $0x0  }
0xdb: {  	s8 =	simm.s32 $0x100;
	[sflag:s3] =	ssyncadd.s32 $0xFFFFFF00  }
0xdc: {  	s8 =	sand.u32 $0x70, s8;
	_ =	swait.ge [sflag:s3], $0x100  }
0xdd: {  	s16 =	sand.u32 $0x5F800, s19;
	s8 =	sadd.s32 s2, s8;
	[sflag:s3] =	ssyncset.done $0x0  }
0xde: {  	s16 =	sadd.s32 s16, s8;
	s8 =	sshrl.u32 s12, $0x3;
	[sflag:s3] =	ssyncadd.s32 $0xFFFFFF00  }
0xdf: {  	[hbm:s16@s0], [sflag:s6] =	dma.strided [spmem:s8@s1], $0x100, s25, $0x10   }
0xe0: {  	s18 =	sadd.s32 $0x100, s19;
	s28 =	smov.u32 s12;
	s16 =	simm.s32 $0x110  }
.LBB2_10:
0xe1: {  	s29 =	sand.u32 $0x70, s16  }
0xe2: {  	p1 =	sne.s32 s16, $0x1F0;
	s16 =	sadd.s32 $0x10, s16;
	s30 =	sand.u32 $0x5F800, s18  }
.Ltmp4:
0xe3: {  	s28 =	sadd.s32 $0x800, s28;
	s29 =	sadd.s32 s2, s29;
	(pc) =	sbr.rel @p1 .LBB2_10-.Ltmp4, $4  }
0xe4: {  	s29 =	sadd.s32 s30, s29;
	s30 =	sshrl.u32 s28, $0x3  }
0xe5: {  	[hbm:s29@s0], [sflag:s6] =	dma.strided [spmem:s30@s1], $0x100, s25, $0x10   }
0xe6: {  	_ = 	snop  }
0xe7: {  	s18 =	sadd.s32 $0x100, s18  }
0xe8: {  	_ =	swait.ge [sflag:s3], $0x100  }
0xe9: {  	[sflag:s3] =	ssyncset.done $0x0  }
0xea: {  	[sflag:s3] =	ssyncadd.s32 $0xFFFFFF00  }
0xeb: {  	_ =	swait.ge [sflag:s3], $0x100  }
0xec: {  	[sflag:s3] =	ssyncset.done $0x0  }
0xed: {  	[sflag:s3] =	ssyncadd.s32 $0xFFFFFF00  }
0xee: {  	_ =	swait.ge [sflag:s3], $0x100  }
0xef: {  	[sflag:s3] =	ssyncset.done $0x0  }
0xf0: {  	[sflag:s3] =	ssyncadd.s32 $0xFFFFFF00  }
0xf1: {  	_ =	swait.ge [sflag:s3], $0x100  }
0xf2: {  	[sflag:s3] =	ssyncset.done $0x0  }
0xf3: {  	[sflag:s3] =	ssyncadd.s32 $0xFFFFFF00  }
0xf4: {  	_ =	swait.ge [sflag:s3], $0x100  }
0xf5: {  	[sflag:s3] =	ssyncset.done $0x0  }
0xf6: {  	[sflag:s3] =	ssyncadd.s32 $0xFFFFFF00  }
0xf7: {  	_ =	swait.ge [sflag:s3], $0x100  }
0xf8: {  	[sflag:s3] =	ssyncset.done $0x0  }
0xf9: {  	[sflag:s3] =	ssyncadd.s32 $0xFFFFFF00  }
0xfa: {  	_ =	swait.ge [sflag:s3], $0x100  }
0xfb: {  	[sflag:s3] =	ssyncset.done $0x0  }
0xfc: {  	[sflag:s3] =	ssyncadd.s32 $0xFFFFFF00  }
0xfd: {  	_ =	swait.ge [sflag:s3], $0x100  }
0xfe: {  	[sflag:s3] =	ssyncset.done $0x0  }
0xff: {  	[sflag:s3] =	ssyncadd.s32 $0xFFFFFF00  }
0x100: {  	_ =	swait.ge [sflag:s3], $0x100  }
0x101: {  	[sflag:s3] =	ssyncset.done $0x0  }
0x102: {  	[sflag:s3] =	ssyncadd.s32 $0xFFFFFF00  }
0x103: {  	_ =	swait.ge [sflag:s3], $0x100  }
0x104: {  	[sflag:s3] =	ssyncset.done $0x0  }
0x105: {  	[sflag:s3] =	ssyncadd.s32 $0xFFFFFF00  }
0x106: {  	_ =	swait.ge [sflag:s3], $0x100  }
0x107: {  	[sflag:s3] =	ssyncset.done $0x0  }
0x108: {  	[sflag:s3] =	ssyncadd.s32 $0xFFFFFF00  }
0x109: {  	_ =	swait.ge [sflag:s3], $0x100  }
0x10a: {  	[sflag:s3] =	ssyncset.done $0x0  }
0x10b: {  	[sflag:s3] =	ssyncadd.s32 $0xFFFFFF00  }
0x10c: {  	_ =	swait.ge [sflag:s3], $0x100  }
0x10d: {  	[sflag:s3] =	ssyncset.done $0x0  }
0x10e: {  	[sflag:s3] =	ssyncadd.s32 $0xFFFFFF00  }
0x10f: {  	_ =	swait.ge [sflag:s3], $0x100  }
0x110: {  	[sflag:s3] =	ssyncset.done $0x0  }
0x111: {  	[sflag:s3] =	ssyncadd.s32 $0xFFFFFF00  }
0x112: {  	_ =	swait.ge [sflag:s3], $0x100  }
0x113: {  	[sflag:s3] =	ssyncset.done $0x0  }
0x114: {  	[sflag:s3] =	ssyncadd.s32 $0xFFFFFF00  }
0x115: {  	_ =	swait.ge [sflag:s3], $0x100  }
0x116: {  	[sflag:s3] =	ssyncset.done $0x0  }
0x117: {  	[sflag:s3] =	ssyncadd.s32 $0xFFFFFF00  }
0x118: {  	[bflag:$0x0] =	sbarrier.arrive $0xFFFF  }
0x119: {  	[spmem:s7] =	stream.linear.scatter [tilespmem:s24], [sflag:$0x4], $0x2000, $0x38;
	[tilespmem:$0x1F008] =	vst v63  }
0x11a: {  	_ = 	snop  }
0x11b: {  	[spmem:s9] =	stream.linear.scatter [tilespmem:s24], [sflag:$0x4], $0x2000, $0x38;
	[tilespmem:$0x1F008] =	vst v63  }
0x11c: {  	_ = 	snop  }
0x11d: {  	[spmem:s10] =	stream.linear.scatter [tilespmem:s24], [sflag:$0x4], $0x2000, $0x38;
	[tilespmem:$0x1F008] =	vst v63  }
0x11e: {  	_ = 	snop  }
0x11f: {  	[spmem:s11] =	stream.linear.scatter [tilespmem:s24], [sflag:$0x4], $0x2000, $0x38;
	[tilespmem:$0x1F008] =	vst v63  }
0x120: {  	_ = 	snop  }
0x121: {  	[spmem:s12] =	stream.linear.scatter [tilespmem:s24], [sflag:$0x4], $0x2000, $0x38;
	[tilespmem:$0x1F008] =	vst v63  }
0x122: {  	_ = 	snop  }
0x123: {  	[spmem:s13] =	stream.linear.scatter [tilespmem:s24], [sflag:$0x4], $0x2000, $0x38;
	[tilespmem:$0x1F008] =	vst v63  }
0x124: {  	_ = 	snop  }
0x125: {  	[spmem:s14] =	stream.linear.scatter [tilespmem:s24], [sflag:$0x4], $0x2000, $0x38;
	[tilespmem:$0x1F008] =	vst v63  }
0x126: {  	s16 =	simm.s32 $0x0  }
0x127: {  	[spmem:s15] =	stream.linear.scatter [tilespmem:s24], [sflag:$0x4], $0x2000, $0x38;
	[tilespmem:$0x1F008] =	vst v63  }
0x128: {  	s18 =	simm.s32 $0x40;
	v7 =	vld [tilespmem:s16+$0x9000]  }
.LBB2_12:
0x129: {  	_ =	sdelay $0x1  }
0x12a: {  	p1 =	sne.s32 s18, $0x7FC0  }
.Ltmp5:
0x12b: {  	_ = 	snop;
	(pc) =	sbr.rel @p1 .LBB2_12-.Ltmp5, $4  }
0x12c: {  	v8 =	vsub.s32 v7, v2  }
0x12d: {  	vm0 =	vlt.u32 v8, $0x100000  }
0x12e: {  	s28 =	sshra.s32 s18, $0x2;
	v8 =	vsel vm0, v8, v6  }
0x12f: {  	s18 =	sadd.s32 $0x40, s18;
	v7 =	vld [tilespmem:s28+$0x9000];
	[tilespmem:s16+$0xB000] =	vst v8;
	s16 =	smov.u32 s28  }
0x130: {  	_ =	sdelay $0x3  }
0x131: {  	v7 =	vsub.s32 v7, v2  }
0x132: {  	vm0 =	vlt.u32 v7, $0x100000  }
0x133: {  	v7 =	vsel vm0, v7, v6  }
0x134: {  	[tilespmem:s16+$0xB000] =	vst v7  }
0x135: {  	_ =	swait.ge [sflag:s26], $0x2000  }
0x136: {  	[sflag:s26] =	ssyncset.done $0x0  }
0x137: {  	[sflag:s26] =	ssyncadd.s32 $0xFFFFE000  }
0x138: {  	_ =	swait.ge [sflag:s26], $0x2000  }
0x139: {  	[sflag:s26] =	ssyncset.done $0x0  }
0x13a: {  	[sflag:s26] =	ssyncadd.s32 $0xFFFFE000  }
0x13b: {  	_ =	swait.ge [sflag:s26], $0x2000  }
0x13c: {  	[sflag:s26] =	ssyncset.done $0x0  }
0x13d: {  	[sflag:s26] =	ssyncadd.s32 $0xFFFFE000  }
0x13e: {  	_ =	swait.ge [sflag:s26], $0x2000  }
0x13f: {  	[sflag:s26] =	ssyncset.done $0x0  }
0x140: {  	[sflag:s26] =	ssyncadd.s32 $0xFFFFE000  }
0x141: {  	_ =	swait.ge [sflag:s26], $0x2000  }
0x142: {  	[sflag:s26] =	ssyncset.done $0x0  }
0x143: {  	[sflag:s26] =	ssyncadd.s32 $0xFFFFE000  }
0x144: {  	_ =	swait.ge [sflag:s26], $0x2000  }
0x145: {  	[sflag:s26] =	ssyncset.done $0x0  }
0x146: {  	[sflag:s26] =	ssyncadd.s32 $0xFFFFE000  }
0x147: {  	_ =	swait.ge [sflag:s26], $0x2000  }
0x148: {  	[sflag:s26] =	ssyncset.done $0x0  }
0x149: {  	[sflag:s26] =	ssyncadd.s32 $0xFFFFE000  }
0x14a: {  	_ =	swait.ge [sflag:s26], $0x2000  }
0x14b: {  	[sflag:s26] =	ssyncset.done $0x0  }
0x14c: {  	[sflag:s26] =	ssyncadd.s32 $0xFFFFE000  }
0x14d: {  	s18 =	simm.s32 $0x2000;
	[bflag:$0x0] =	sbarrier.arrive $0xFFFF  }
0x14e: {  	s28 =	simm.s32 $0xB000;
	s29 =	simm.s32 $0x7000;
	s30 =	rddreg [dreg:$0x3]  }
0x14f: {  	[spmem:s30] =	stream.indirect.scatter [tilespmem:s29], [sflag:$0x2], $0x1, s28, s18, $0xb8;
	[tilespmem:$0x1F008] =	vst v63  }
0x150: {  	s18 =	simm.s32 $0x0;
	_ =	swait.ge [sflag:s31], $0x2000  }
0x151: {  	s16 =	sand.u32 $0x70, s18;
	[sflag:s31] =	ssyncset.done $0x0  }
0x152: {  	s29 =	sand.u32 $0xFFFE800, s20;
	s16 =	sadd.s32 s2, s16;
	[sflag:s31] =	ssyncadd.s32 $0xFFFFE000  }
0x153: {  	s30 =	sshrl.u32 s7, $0x3;
	s16 =	sadd.s32 s29, s16;
	[bflag:$0x0] =	sbarrier.arrive $0xFFFF  }
0x154: {  	[hbm:s16@s0], [sflag:s6] =	dma.strided [spmem:s30@s1], $0x100, s25, $0x10   }
0x155: {  	s28 =	smov.u32 s7;
	s18 =	sadd.s32 $0x100, s20;
	s16 =	simm.s32 $0x10  }
.LBB2_14:
0x156: {  	s29 =	sand.u32 $0x70, s16  }
0x157: {  	p1 =	sne.s32 s16, $0xF0;
	s16 =	sadd.s32 $0x10, s16;
	s30 =	sand.u32 $0xFFFE800, s18  }
.Ltmp6:
0x158: {  	s28 =	sadd.s32 $0x800, s28;
	s29 =	sadd.s32 s2, s29;
	(pc) =	sbr.rel @p1 .LBB2_14-.Ltmp6, $4  }
0x159: {  	s29 =	sadd.s32 s30, s29;
	s30 =	sshrl.u32 s28, $0x3  }
0x15a: {  	[hbm:s29@s0], [sflag:s6] =	dma.strided [spmem:s30@s1], $0x100, s25, $0x10   }
0x15b: {  	_ = 	snop  }
0x15c: {  	s18 =	sadd.s32 $0x100, s18  }
0x15d: {  	_ =	swait.ge [sflag:s3], $0x100  }
0x15e: {  	[sflag:s3] =	ssyncset.done $0x0  }
0x15f: {  	[sflag:s3] =	ssyncadd.s32 $0xFFFFFF00  }
0x160: {  	_ =	swait.ge [sflag:s3], $0x100  }
0x161: {  	[sflag:s3] =	ssyncset.done $0x0  }
0x162: {  	[sflag:s3] =	ssyncadd.s32 $0xFFFFFF00  }
0x163: {  	_ =	swait.ge [sflag:s3], $0x100  }
0x164: {  	[sflag:s3] =	ssyncset.done $0x0  }
0x165: {  	[sflag:s3] =	ssyncadd.s32 $0xFFFFFF00  }
0x166: {  	_ =	swait.ge [sflag:s3], $0x100  }
0x167: {  	[sflag:s3] =	ssyncset.done $0x0  }
0x168: {  	[sflag:s3] =	ssyncadd.s32 $0xFFFFFF00  }
0x169: {  	_ =	swait.ge [sflag:s3], $0x100  }
0x16a: {  	[sflag:s3] =	ssyncset.done $0x0  }
0x16b: {  	[sflag:s3] =	ssyncadd.s32 $0xFFFFFF00  }
0x16c: {  	_ =	swait.ge [sflag:s3], $0x100  }
0x16d: {  	[sflag:s3] =	ssyncset.done $0x0  }
0x16e: {  	[sflag:s3] =	ssyncadd.s32 $0xFFFFFF00  }
0x16f: {  	_ =	swait.ge [sflag:s3], $0x100  }
0x170: {  	[sflag:s3] =	ssyncset.done $0x0  }
0x171: {  	[sflag:s3] =	ssyncadd.s32 $0xFFFFFF00  }
0x172: {  	_ =	swait.ge [sflag:s3], $0x100  }
0x173: {  	[sflag:s3] =	ssyncset.done $0x0  }
0x174: {  	[sflag:s3] =	ssyncadd.s32 $0xFFFFFF00  }
0x175: {  	_ =	swait.ge [sflag:s3], $0x100  }
0x176: {  	[sflag:s3] =	ssyncset.done $0x0  }
0x177: {  	[sflag:s3] =	ssyncadd.s32 $0xFFFFFF00  }
0x178: {  	_ =	swait.ge [sflag:s3], $0x100  }
0x179: {  	[sflag:s3] =	ssyncset.done $0x0  }
0x17a: {  	[sflag:s3] =	ssyncadd.s32 $0xFFFFFF00  }
0x17b: {  	_ =	swait.ge [sflag:s3], $0x100  }
0x17c: {  	[sflag:s3] =	ssyncset.done $0x0  }
0x17d: {  	[sflag:s3] =	ssyncadd.s32 $0xFFFFFF00  }
0x17e: {  	_ =	swait.ge [sflag:s3], $0x100  }
0x17f: {  	[sflag:s3] =	ssyncset.done $0x0  }
0x180: {  	[sflag:s3] =	ssyncadd.s32 $0xFFFFFF00  }
0x181: {  	_ =	swait.ge [sflag:s3], $0x100  }
0x182: {  	[sflag:s3] =	ssyncset.done $0x0  }
0x183: {  	[sflag:s3] =	ssyncadd.s32 $0xFFFFFF00  }
0x184: {  	_ =	swait.ge [sflag:s3], $0x100  }
0x185: {  	[sflag:s3] =	ssyncset.done $0x0  }
0x186: {  	[sflag:s3] =	ssyncadd.s32 $0xFFFFFF00  }
0x187: {  	_ =	swait.ge [sflag:s3], $0x100  }
0x188: {  	[sflag:s3] =	ssyncset.done $0x0  }
0x189: {  	s16 =	simm.s32 $0x100;
	[sflag:s3] =	ssyncadd.s32 $0xFFFFFF00  }
0x18a: {  	s16 =	sand.u32 $0x70, s16;
	_ =	swait.ge [sflag:s3], $0x100  }
0x18b: {  	s18 =	sand.u32 $0xFFFF800, s21;
	s16 =	sadd.s32 s2, s16;
	[sflag:s3] =	ssyncset.done $0x0  }
0x18c: {  	s16 =	sadd.s32 s18, s16;
	[sflag:s3] =	ssyncadd.s32 $0xFFFFFF00  }
0x18d: {  	[hbm:s16@s0], [sflag:s6] =	dma.strided [spmem:s8@s1], $0x100, s25, $0x10   }
0x18e: {  	s18 =	smov.u32 s12;
	s8 =	simm.s32 $0x110;
	s16 =	sadd.s32 $0x100, s21  }
.LBB2_16:
0x18f: {  	s28 =	sand.u32 $0x70, s8  }
0x190: {  	p1 =	sne.s32 s8, $0x1F0;
	s8 =	sadd.s32 $0x10, s8;
	s29 =	sand.u32 $0xFFFF800, s16  }
.Ltmp7:
0x191: {  	s18 =	sadd.s32 $0x800, s18;
	s28 =	sadd.s32 s2, s28;
	(pc) =	sbr.rel @p1 .LBB2_16-.Ltmp7, $4  }
0x192: {  	s28 =	sadd.s32 s29, s28;
	s29 =	sshrl.u32 s18, $0x3  }
0x193: {  	[hbm:s28@s0], [sflag:s6] =	dma.strided [spmem:s29@s1], $0x100, s25, $0x10   }
0x194: {  	_ = 	snop  }
0x195: {  	s16 =	sadd.s32 $0x100, s16  }
0x196: {  	_ =	swait.ge [sflag:s3], $0x100  }
0x197: {  	[sflag:s3] =	ssyncset.done $0x0  }
0x198: {  	[sflag:s3] =	ssyncadd.s32 $0xFFFFFF00  }
0x199: {  	_ =	swait.ge [sflag:s3], $0x100  }
0x19a: {  	[sflag:s3] =	ssyncset.done $0x0  }
0x19b: {  	[sflag:s3] =	ssyncadd.s32 $0xFFFFFF00  }
0x19c: {  	_ =	swait.ge [sflag:s3], $0x100  }
0x19d: {  	[sflag:s3] =	ssyncset.done $0x0  }
0x19e: {  	[sflag:s3] =	ssyncadd.s32 $0xFFFFFF00  }
0x19f: {  	_ =	swait.ge [sflag:s3], $0x100  }
0x1a0: {  	[sflag:s3] =	ssyncset.done $0x0  }
0x1a1: {  	[sflag:s3] =	ssyncadd.s32 $0xFFFFFF00  }
0x1a2: {  	_ =	swait.ge [sflag:s3], $0x100  }
0x1a3: {  	[sflag:s3] =	ssyncset.done $0x0  }
0x1a4: {  	[sflag:s3] =	ssyncadd.s32 $0xFFFFFF00  }
0x1a5: {  	_ =	swait.ge [sflag:s3], $0x100  }
0x1a6: {  	[sflag:s3] =	ssyncset.done $0x0  }
0x1a7: {  	[sflag:s3] =	ssyncadd.s32 $0xFFFFFF00  }
0x1a8: {  	_ =	swait.ge [sflag:s3], $0x100  }
0x1a9: {  	[sflag:s3] =	ssyncset.done $0x0  }
0x1aa: {  	[sflag:s3] =	ssyncadd.s32 $0xFFFFFF00  }
0x1ab: {  	_ =	swait.ge [sflag:s3], $0x100  }
0x1ac: {  	[sflag:s3] =	ssyncset.done $0x0  }
0x1ad: {  	[sflag:s3] =	ssyncadd.s32 $0xFFFFFF00  }
0x1ae: {  	_ =	swait.ge [sflag:s3], $0x100  }
0x1af: {  	[sflag:s3] =	ssyncset.done $0x0  }
0x1b0: {  	[sflag:s3] =	ssyncadd.s32 $0xFFFFFF00  }
0x1b1: {  	_ =	swait.ge [sflag:s3], $0x100  }
0x1b2: {  	[sflag:s3] =	ssyncset.done $0x0  }
0x1b3: {  	[sflag:s3] =	ssyncadd.s32 $0xFFFFFF00  }
0x1b4: {  	_ =	swait.ge [sflag:s3], $0x100  }
0x1b5: {  	[sflag:s3] =	ssyncset.done $0x0  }
0x1b6: {  	[sflag:s3] =	ssyncadd.s32 $0xFFFFFF00  }
0x1b7: {  	_ =	swait.ge [sflag:s3], $0x100  }
0x1b8: {  	[sflag:s3] =	ssyncset.done $0x0  }
0x1b9: {  	[sflag:s3] =	ssyncadd.s32 $0xFFFFFF00  }
0x1ba: {  	_ =	swait.ge [sflag:s3], $0x100  }
0x1bb: {  	[sflag:s3] =	ssyncset.done $0x0  }
0x1bc: {  	[sflag:s3] =	ssyncadd.s32 $0xFFFFFF00  }
0x1bd: {  	_ =	swait.ge [sflag:s3], $0x100  }
0x1be: {  	[sflag:s3] =	ssyncset.done $0x0  }
0x1bf: {  	[sflag:s3] =	ssyncadd.s32 $0xFFFFFF00  }
0x1c0: {  	_ =	swait.ge [sflag:s3], $0x100  }
0x1c1: {  	[sflag:s3] =	ssyncset.done $0x0  }
0x1c2: {  	[sflag:s3] =	ssyncadd.s32 $0xFFFFFF00  }
0x1c3: {  	_ =	swait.ge [sflag:s3], $0x100  }
0x1c4: {  	[sflag:s3] =	ssyncset.done $0x0  }
0x1c5: {  	s6 =	simm.s32 @!p0 $0x3;
	[sflag:s3] =	ssyncadd.s32 $0xFFFFFF00  }
0x1c6: {  	_ =	swait.ge @!p0 [sflag:s6], $0x2000  }
0x1c7: {  	s5 =	sadd.s32 $0x1, s5;
	s8 =	rddreg [dreg:$0x9]  }
0x1c8: {  	p1 =	sne.s32 s5, s8  }
.Ltmp8:
0x1c9: {  	_ = 	snop;
	(pc) =	sbr.rel @p1 .LBB2_1-.Ltmp8, $3  }
0x1ca: {  	_ =	sdelay $0x1  }
0x1cb: {  	[sflag:s6] =	ssyncset.done @!p0 $0x0  }
0x1cc: {  	[sflag:s6] =	ssyncadd.s32 @!p0 $0xFFFFE000  }
0x1cd: {  	_ =	sfence.sel $0x180000  }
0x1ce: {  	[bflag:$0x0] =	sbarrier.arrive $0xFFFF  }
0x1cf: {  	_ =	strace $0x90000047  }
0x1d0: {  	s0 =	stileid.u32;
	[bflag:$0x2] =	sbarrier.arrive $0xFFFF  }
0x1d1: {  	p0 =	sne.s32 s0, $0x0;
	s0 =	rddreg [dreg:$0x4]  }
0x1d2: {  	s0 =	sadd.s32 @!p0 $0x100000, s0  }
0x1d3: {  	[sflag:s0] =	ssyncadd.tile.s32 @!p0 $0x1;
	_ =	shalt  }
.Lfunc_end2:
_tile_overlayer_lowered:
.L_overlay_start_2:
0x1d4: {  	(tag) =	ssettag $0x2  }
0x1d5: {  	s0 =	rddreg [dreg:$0x0];
	s2 =	stileid.u32  }
0x1d6: {  	s1 =	rddreg [dreg:$0x1];
	p0 =	sne.s32 s2, $0x0  }
0x1d7: {  	s3 =	rddreg [dreg:$0x2];
	[bflag:$0x3] =	sbarrier.arrive $0xFFFF;
	s2 =	simm.s32 @!p0 $0x1C06  }
0x1d8: {  	[timem:s3], [sflag:s2] =	dma.local @!p0 [hbm:s0], s1  }
0x1d9: {  	s0 =	simm.s32 @!p0 $0x6  }
0x1da: {  	_ =	swait.ge @!p0 [sflag:s0], s1  }
0x1db: {  	s1 =	ssub.s32 @!p0 $0x0, s1;
	[sflag:s0] =	ssyncset.done @!p0 $0x0  }
0x1dc: {  	[sflag:s0] =	ssyncadd.s32 @!p0 s1  }
0x1dd: {  	[bflag:$0x3] =	sbarrier.arrive $0xFFFF  }
0x1de: {  	_ =	shalt  }

</sc_bundles>
